<compile_context>
chip_gen: v7x
topology: tpu7x:2x2x1
jax: 0.10.2.dev20260603
libtpu: 0.0.44.dev20260713+nightly
codegen_flags: <defaults>
</compile_context>

<pallas_src>
import functools

import jax
import jax.numpy as jnp
from jax import lax
from jax.experimental import pallas as pl
from jax.experimental.pallas import tpu as pltpu
from jax.experimental.pallas import tpu_sc as plsc

NBUF = 4


@functools.lru_cache(maxsize=None)
def _make_gather(batch: int, seq: int, vocab: int, embed: int):
    info = plsc.get_sparse_core_info()
    nc, ns = info.num_cores, info.num_subcores
    nw = nc * ns
    assert batch % (nw * NBUF) == 0
    rows_w = batch // nw
    n_pass = rows_w // NBUF
    assert n_pass >= 2
    chunks = []
    off = 0
    while off < seq:
        w = min(128, seq - off)
        chunks.append((off, w))
        off += w
    assert all(o % 8 == 0 for o, _ in chunks)
    mesh = plsc.VectorSubcoreMesh(core_axis_name="c", subcore_axis_name="s")

    @functools.partial(
        pl.kernel,
        mesh=mesh,
        out_type=jax.ShapeDtypeStruct((batch, seq, embed), jnp.float32),
        scratch_types=[
            pltpu.VMEM((rows_w, seq), jnp.int32),
        ]
        + [pltpu.VMEM((seq, embed), jnp.float32) for _ in range(NBUF)]
        + [pltpu.SemaphoreType.DMA for _ in range(2 * NBUF)],
        compiler_params=pltpu.CompilerParams(use_tc_tiling_on_sc=False),
    )
    def gather_kernel(idx_hbm, table_hbm, out_hbm, idx_v, *rest):
        bufs = rest[:NBUF]
        gsem = rest[NBUF : 2 * NBUF]
        ssem = rest[2 * NBUF :]
        wid = lax.axis_index("s") * nc + lax.axis_index("c")
        row0 = wid * rows_w
        pltpu.sync_copy(idx_hbm.at[pl.ds(row0, rows_w), :], idx_v)

        def fire_gathers(r, b):
            for o, w in chunks:
                pltpu.async_copy(
                    table_hbm.at[idx_v.at[r, pl.ds(o, w)]],
                    bufs[b].at[pl.ds(o, w)],
                    gsem[b],
                )

        def wait_gathers(b):
            for o, w in chunks:
                pltpu.make_async_copy(
                    out_hbm.at[0, pl.ds(o, w), :],
                    bufs[b].at[pl.ds(o, w)],
                    gsem[b],
                ).wait()

        def fire_store(r, b):
            pltpu.async_copy(bufs[b], out_hbm.at[row0 + r], ssem[b])

        def wait_store(b):
            pltpu.make_async_copy(
                bufs[b], out_hbm.at[0], ssem[b]
            ).wait()

        def step(r, b, do_wait_store, do_fire_gather):
            wait_gathers(b)
            fire_store(r, b)
            if do_wait_store:
                wait_store((b + 2) % NBUF)
            if do_fire_gather:
                fire_gathers(r + 2, (b + 2) % NBUF)

        fire_gathers(0, 0)
        fire_gathers(1, 1)

        for b in range(NBUF):
            step(b, b, b >= 2, True)

        def body(t, carry):
            r_base = t * NBUF
            for b in range(NBUF):
                step(r_base + b, b, True, True)
            return carry

        lax.fori_loop(1, n_pass - 1, body, 0)

        r_base = (n_pass - 1) * NBUF
        for b in range(NBUF):
            r = r_base + b
            step(r, b, True, r + 2 < rows_w)

        wait_store((NBUF - 2) % NBUF)
        wait_store((NBUF - 1) % NBUF)

    return gather_kernel


def kernel(x, table):
    b, s = x.shape
    vocab, embed = table.shape
    return _make_gather(b, s, vocab, embed)(x.astype(jnp.int32), table)

# --- scband reference (transcript-rebuilt; emitter-appended) ---
"""Pipeline reference for scband-model-transformer-46385646797484 (READ-ONLY COPY).

The authoritative reference and input builder live on the scoring server;
editing this copy changes nothing except your own understanding.
"""

import jax, jax.numpy as jnp
import numpy as np

SRC_VOCAB = 1000000
EMBED = 64
BATCH = 4096
SEQ = 200

def setup_inputs(seed: int = 0) -> dict:
    key = jax.random.key(seed)
    k1, k2 = jax.random.split(key)
    x = jax.random.randint(k1, (BATCH, SEQ), 0, SRC_VOCAB, dtype=jnp.int64 if jax.config.jax_enable_x64 else jnp.int32)
    table = jax.random.normal(k2, (SRC_VOCAB, EMBED), dtype=jnp.float32)
    return {"x": x, "table": table}

def reference(x, table):
    # Faithful to forward: x = self.src_word_embedding(x); return x
    # (nn.Embedding lookup only; transformer and fc_out are never invoked)
    return jnp.take(table, x, axis=0)

if __name__ == "__main__":
    import jax
    _d = setup_inputs()
    print(jax.jit(kernel)(*tuple(_d.values())))

</pallas_src>

<mosaic_0001>
#map = affine_map<(d0, d1) -> (0, 0)>
#map1 = affine_map<(d0, d1) -> (0, 0, 0)>
module attributes {stable_mosaic.version = 14 : i64} {
  func.func @gather_kernel(%arg0: i32, %arg1: i32, %arg2: memref<4096x200xi32, #tpu.memory_space<hbm>>, %arg3: memref<1000000x64xf32, #tpu.memory_space<hbm>>, %arg4: memref<4096x200x64xf32, #tpu.memory_space<hbm>>, %arg5: memref<128x200xi32, #tpu.memory_space<vmem>>, %arg6: memref<200x64xf32, #tpu.memory_space<vmem>>, %arg7: memref<200x64xf32, #tpu.memory_space<vmem>>, %arg8: memref<200x64xf32, #tpu.memory_space<vmem>>, %arg9: memref<200x64xf32, #tpu.memory_space<vmem>>, %arg10: memref<!tpu.dma_semaphore, #tpu.memory_space<semaphore_mem>>, %arg11: memref<!tpu.dma_semaphore, #tpu.memory_space<semaphore_mem>>, %arg12: memref<!tpu.dma_semaphore, #tpu.memory_space<semaphore_mem>>, %arg13: memref<!tpu.dma_semaphore, #tpu.memory_space<semaphore_mem>>, %arg14: memref<!tpu.dma_semaphore, #tpu.memory_space<semaphore_mem>>, %arg15: memref<!tpu.dma_semaphore, #tpu.memory_space<semaphore_mem>>, %arg16: memref<!tpu.dma_semaphore, #tpu.memory_space<semaphore_mem>>, %arg17: memref<!tpu.dma_semaphore, #tpu.memory_space<semaphore_mem>>) attributes {dimension_semantics = [#tpu.dimension_semantics<core_parallel>, #tpu.dimension_semantics<subcore_parallel>], iteration_bounds = array<i64: 2, 16>, scalar_prefetch = 0 : i64, scratch_operands = 13 : i64, tpu.core_type = #tpu.core_type<sc_vector_subcore>, window_params = [{transform_indices = #map}, {transform_indices = #map}, {transform_indices = #map1}]} {
    %mul3A = arith.constant 2 : i32
    %mul3A_0 = arith.muli %arg1, %mul3A : i32
    %add3A = arith.addi %mul3A_0, %arg0 : i32
    %mul3A_1 = arith.constant 128 : i32
    %mul3A_2 = arith.muli %add3A, %mul3A_1 : i32
    "tpu.region"() ({
      %run_scoped3A = tpu.sem_alloc : memref<!tpu.dma_semaphore, #tpu.memory_space<semaphore_mem>>
      %dma_start3A_558 = arith.constant 0 : i32
      %dma_start3A_559 = tpu.memref_slice %arg2[%mul3A_2, %dma_start3A_558] : memref<4096x200xi32, #tpu.memory_space<hbm>> -> memref<128x200xi32, #tpu.memory_space<hbm>>
      %dma_start3A_560 = arith.constant 0 : i32
      %dma_start3A_561 = tpu.memref_slice %arg2[%mul3A_2, %dma_start3A_560] : memref<4096x200xi32, #tpu.memory_space<hbm>> -> memref<128x200xi32, #tpu.memory_space<hbm>>
      tpu.enqueue_dma source(%dma_start3A_561 : memref<128x200xi32, #tpu.memory_space<hbm>>) target(%arg5 : memref<128x200xi32, #tpu.memory_space<vmem>>) target_semaphore(%run_scoped3A : memref<!tpu.dma_semaphore, #tpu.memory_space<semaphore_mem>>)
      %dma_wait3A_562 = arith.constant 0 : i32
      %dma_wait3A_563 = tpu.memref_slice %arg2[%mul3A_2, %dma_wait3A_562] : memref<4096x200xi32, #tpu.memory_space<hbm>> -> memref<128x200xi32, #tpu.memory_space<hbm>>
      %dma_wait3A_564 = arith.constant 0 : i32
      %dma_wait3A_565 = tpu.memref_slice %arg2[%mul3A_2, %dma_wait3A_564] : memref<4096x200xi32, #tpu.memory_space<hbm>> -> memref<128x200xi32, #tpu.memory_space<hbm>>
      tpu.wait_dma2 semaphore(%run_scoped3A : memref<!tpu.dma_semaphore, #tpu.memory_space<semaphore_mem>>) src(%dma_wait3A_565 : memref<128x200xi32, #tpu.memory_space<hbm>>) dst(%arg5 : memref<128x200xi32, #tpu.memory_space<vmem>>)
      tpu.yield
    }) : () -> ()
    %dma_start3A = arith.constant 0 : i32
    %dma_start3A_3 = arith.constant 0 : i32
    %dma_start3A_4 = arith.constant 0 : i32
    %dma_start3A_5 = tpu.memref_slice %arg6[%dma_start3A_3, %dma_start3A_4] : memref<200x64xf32, #tpu.memory_space<vmem>> -> memref<128x64xf32, #tpu.memory_space<vmem>>
    %dma_start3A_6 = arith.constant 0 : i32
    %dma_start3A_7 = tpu.memref_slice %arg5[%dma_start3A, %dma_start3A_6] : memref<128x200xi32, #tpu.memory_space<vmem>> -> memref<1x128xi32, #tpu.memory_space<vmem>>
    %dma_start3A_8 = tpu.memref_squeeze %dma_start3A_7 : memref<1x128xi32, #tpu.memory_space<vmem>> -> memref<128xi32, #tpu.memory_space<vmem>>
    %dma_start3A_9 = arith.constant 0 : i32
    %dma_start3A_10 = arith.constant 0 : i32
    %dma_start3A_11 = tpu.memref_slice %arg3[%dma_start3A_9, %dma_start3A_10] : memref<1000000x64xf32, #tpu.memory_space<hbm>> -> memref<1000000x64xf32, #tpu.memory_space<hbm>>
    tpu.enqueue_indirect_dma source(%dma_start3A_11 : memref<1000000x64xf32, #tpu.memory_space<hbm>>) target(%dma_start3A_5 : memref<128x64xf32, #tpu.memory_space<vmem>>) offsets(%dma_start3A_8 : memref<128xi32, #tpu.memory_space<vmem>>) semaphore(%arg10 : memref<!tpu.dma_semaphore, #tpu.memory_space<semaphore_mem>>)
    %dma_start3A_12 = arith.constant 0 : i32
    %dma_start3A_13 = arith.constant 128 : i32
    %dma_start3A_14 = arith.constant 0 : i32
    %dma_start3A_15 = tpu.memref_slice %arg6[%dma_start3A_13, %dma_start3A_14] : memref<200x64xf32, #tpu.memory_space<vmem>> -> memref<72x64xf32, #tpu.memory_space<vmem>>
    %dma_start3A_16 = arith.constant 128 : i32
    %dma_start3A_17 = tpu.memref_slice %arg5[%dma_start3A_12, %dma_start3A_16] : memref<128x200xi32, #tpu.memory_space<vmem>> -> memref<1x72xi32, #tpu.memory_space<vmem>>
    %dma_start3A_18 = tpu.memref_squeeze %dma_start3A_17 : memref<1x72xi32, #tpu.memory_space<vmem>> -> memref<72xi32, #tpu.memory_space<vmem>>
    %dma_start3A_19 = arith.constant 0 : i32
    %dma_start3A_20 = arith.constant 0 : i32
    %dma_start3A_21 = tpu.memref_slice %arg3[%dma_start3A_19, %dma_start3A_20] : memref<1000000x64xf32, #tpu.memory_space<hbm>> -> memref<1000000x64xf32, #tpu.memory_space<hbm>>
    tpu.enqueue_indirect_dma source(%dma_start3A_21 : memref<1000000x64xf32, #tpu.memory_space<hbm>>) target(%dma_start3A_15 : memref<72x64xf32, #tpu.memory_space<vmem>>) offsets(%dma_start3A_18 : memref<72xi32, #tpu.memory_space<vmem>>) semaphore(%arg10 : memref<!tpu.dma_semaphore, #tpu.memory_space<semaphore_mem>>)
    %dma_start3A_22 = arith.constant 1 : i32
    %dma_start3A_23 = arith.constant 0 : i32
    %dma_start3A_24 = arith.constant 0 : i32
    %dma_start3A_25 = tpu.memref_slice %arg7[%dma_start3A_23, %dma_start3A_24] : memref<200x64xf32, #tpu.memory_space<vmem>> -> memref<128x64xf32, #tpu.memory_space<vmem>>
    %dma_start3A_26 = arith.constant 0 : i32
    %dma_start3A_27 = tpu.memref_slice %arg5[%dma_start3A_22, %dma_start3A_26] : memref<128x200xi32, #tpu.memory_space<vmem>> -> memref<1x128xi32, #tpu.memory_space<vmem>>
    %dma_start3A_28 = tpu.memref_squeeze %dma_start3A_27 : memref<1x128xi32, #tpu.memory_space<vmem>> -> memref<128xi32, #tpu.memory_space<vmem>>
    %dma_start3A_29 = arith.constant 0 : i32
    %dma_start3A_30 = arith.constant 0 : i32
    %dma_start3A_31 = tpu.memref_slice %arg3[%dma_start3A_29, %dma_start3A_30] : memref<1000000x64xf32, #tpu.memory_space<hbm>> -> memref<1000000x64xf32, #tpu.memory_space<hbm>>
    tpu.enqueue_indirect_dma source(%dma_start3A_31 : memref<1000000x64xf32, #tpu.memory_space<hbm>>) target(%dma_start3A_25 : memref<128x64xf32, #tpu.memory_space<vmem>>) offsets(%dma_start3A_28 : memref<128xi32, #tpu.memory_space<vmem>>) semaphore(%arg11 : memref<!tpu.dma_semaphore, #tpu.memory_space<semaphore_mem>>)
    %dma_start3A_32 = arith.constant 1 : i32
    %dma_start3A_33 = arith.constant 128 : i32
    %dma_start3A_34 = arith.constant 0 : i32
    %dma_start3A_35 = tpu.memref_slice %arg7[%dma_start3A_33, %dma_start3A_34] : memref<200x64xf32, #tpu.memory_space<vmem>> -> memref<72x64xf32, #tpu.memory_space<vmem>>
    %dma_start3A_36 = arith.constant 128 : i32
    %dma_start3A_37 = tpu.memref_slice %arg5[%dma_start3A_32, %dma_start3A_36] : memref<128x200xi32, #tpu.memory_space<vmem>> -> memref<1x72xi32, #tpu.memory_space<vmem>>
    %dma_start3A_38 = tpu.memref_squeeze %dma_start3A_37 : memref<1x72xi32, #tpu.memory_space<vmem>> -> memref<72xi32, #tpu.memory_space<vmem>>
    %dma_start3A_39 = arith.constant 0 : i32
    %dma_start3A_40 = arith.constant 0 : i32
    %dma_start3A_41 = tpu.memref_slice %arg3[%dma_start3A_39, %dma_start3A_40] : memref<1000000x64xf32, #tpu.memory_space<hbm>> -> memref<1000000x64xf32, #tpu.memory_space<hbm>>
    tpu.enqueue_indirect_dma source(%dma_start3A_41 : memref<1000000x64xf32, #tpu.memory_space<hbm>>) target(%dma_start3A_35 : memref<72x64xf32, #tpu.memory_space<vmem>>) offsets(%dma_start3A_38 : memref<72xi32, #tpu.memory_space<vmem>>) semaphore(%arg11 : memref<!tpu.dma_semaphore, #tpu.memory_space<semaphore_mem>>)
    %dma_wait3A = arith.constant 0 : i32
    %dma_wait3A_42 = arith.constant 0 : i32
    %dma_wait3A_43 = arith.constant 0 : i32
    %dma_wait3A_44 = tpu.memref_slice %arg6[%dma_wait3A_42, %dma_wait3A_43] : memref<200x64xf32, #tpu.memory_space<vmem>> -> memref<128x64xf32, #tpu.memory_space<vmem>>
    %dma_wait3A_45 = arith.constant 0 : i32
    %dma_wait3A_46 = arith.constant 0 : i32
    %dma_wait3A_47 = tpu.memref_slice %arg4[%dma_wait3A, %dma_wait3A_45, %dma_wait3A_46] : memref<4096x200x64xf32, #tpu.memory_space<hbm>> -> memref<1x128x64xf32, #tpu.memory_space<hbm>>
    %dma_wait3A_48 = tpu.memref_squeeze %dma_wait3A_47 : memref<1x128x64xf32, #tpu.memory_space<hbm>> -> memref<128x64xf32, #tpu.memory_space<hbm>>
    %dma_wait3A_49 = arith.constant 0 : i32
    %dma_wait3A_50 = arith.constant 0 : i32
    %dma_wait3A_51 = tpu.memref_slice %arg6[%dma_wait3A_49, %dma_wait3A_50] : memref<200x64xf32, #tpu.memory_space<vmem>> -> memref<128x64xf32, #tpu.memory_space<vmem>>
    %dma_wait3A_52 = arith.constant 0 : i32
    %dma_wait3A_53 = arith.constant 0 : i32
    %dma_wait3A_54 = tpu.memref_slice %arg4[%dma_wait3A, %dma_wait3A_52, %dma_wait3A_53] : memref<4096x200x64xf32, #tpu.memory_space<hbm>> -> memref<1x128x64xf32, #tpu.memory_space<hbm>>
    %dma_wait3A_55 = tpu.memref_squeeze %dma_wait3A_54 : memref<1x128x64xf32, #tpu.memory_space<hbm>> -> memref<128x64xf32, #tpu.memory_space<hbm>>
    tpu.wait_dma2 semaphore(%arg10 : memref<!tpu.dma_semaphore, #tpu.memory_space<semaphore_mem>>) src(%dma_wait3A_55 : memref<128x64xf32, #tpu.memory_space<hbm>>) dst(%dma_wait3A_51 : memref<128x64xf32, #tpu.memory_space<vmem>>)
    %dma_wait3A_56 = arith.constant 0 : i32
    %dma_wait3A_57 = arith.constant 128 : i32
    %dma_wait3A_58 = arith.constant 0 : i32
    %dma_wait3A_59 = tpu.memref_slice %arg6[%dma_wait3A_57, %dma_wait3A_58] : memref<200x64xf32, #tpu.memory_space<vmem>> -> memref<72x64xf32, #tpu.memory_space<vmem>>
    %dma_wait3A_60 = arith.constant 128 : i32
    %dma_wait3A_61 = arith.constant 0 : i32
    %dma_wait3A_62 = tpu.memref_slice %arg4[%dma_wait3A_56, %dma_wait3A_60, %dma_wait3A_61] : memref<4096x200x64xf32, #tpu.memory_space<hbm>> -> memref<1x72x64xf32, #tpu.memory_space<hbm>>
    %dma_wait3A_63 = tpu.memref_squeeze %dma_wait3A_62 : memref<1x72x64xf32, #tpu.memory_space<hbm>> -> memref<72x64xf32, #tpu.memory_space<hbm>>
    %dma_wait3A_64 = arith.constant 128 : i32
    %dma_wait3A_65 = arith.constant 0 : i32
    %dma_wait3A_66 = tpu.memref_slice %arg6[%dma_wait3A_64, %dma_wait3A_65] : memref<200x64xf32, #tpu.memory_space<vmem>> -> memref<72x64xf32, #tpu.memory_space<vmem>>
    %dma_wait3A_67 = arith.constant 128 : i32
    %dma_wait3A_68 = arith.constant 0 : i32
    %dma_wait3A_69 = tpu.memref_slice %arg4[%dma_wait3A_56, %dma_wait3A_67, %dma_wait3A_68] : memref<4096x200x64xf32, #tpu.memory_space<hbm>> -> memref<1x72x64xf32, #tpu.memory_space<hbm>>
    %dma_wait3A_70 = tpu.memref_squeeze %dma_wait3A_69 : memref<1x72x64xf32, #tpu.memory_space<hbm>> -> memref<72x64xf32, #tpu.memory_space<hbm>>
    tpu.wait_dma2 semaphore(%arg10 : memref<!tpu.dma_semaphore, #tpu.memory_space<semaphore_mem>>) src(%dma_wait3A_70 : memref<72x64xf32, #tpu.memory_space<hbm>>) dst(%dma_wait3A_66 : memref<72x64xf32, #tpu.memory_space<vmem>>)
    %add3A_71 = arith.constant 0 : i32
    %add3A_72 = arith.addi %mul3A_2, %add3A_71 : i32
    %dma_start3A_73 = arith.constant 0 : i32
    %dma_start3A_74 = arith.constant 0 : i32
    %dma_start3A_75 = tpu.memref_slice %arg4[%add3A_72, %dma_start3A_73, %dma_start3A_74] : memref<4096x200x64xf32, #tpu.memory_space<hbm>> -> memref<1x200x64xf32, #tpu.memory_space<hbm>>
    %dma_start3A_76 = tpu.memref_squeeze %dma_start3A_75 : memref<1x200x64xf32, #tpu.memory_space<hbm>> -> memref<200x64xf32, #tpu.memory_space<hbm>>
    %dma_start3A_77 = arith.constant 0 : i32
    %dma_start3A_78 = arith.constant 0 : i32
    %dma_start3A_79 = tpu.memref_slice %arg4[%add3A_72, %dma_start3A_77, %dma_start3A_78] : memref<4096x200x64xf32, #tpu.memory_space<hbm>> -> memref<1x200x64xf32, #tpu.memory_space<hbm>>
    %dma_start3A_80 = tpu.memref_squeeze %dma_start3A_79 : memref<1x200x64xf32, #tpu.memory_space<hbm>> -> memref<200x64xf32, #tpu.memory_space<hbm>>
    tpu.enqueue_dma source(%arg6 : memref<200x64xf32, #tpu.memory_space<vmem>>) target(%dma_start3A_80 : memref<200x64xf32, #tpu.memory_space<hbm>>) target_semaphore(%arg14 : memref<!tpu.dma_semaphore, #tpu.memory_space<semaphore_mem>>)
    %dma_start3A_81 = arith.constant 2 : i32
    %dma_start3A_82 = arith.constant 0 : i32
    %dma_start3A_83 = arith.constant 0 : i32
    %dma_start3A_84 = tpu.memref_slice %arg8[%dma_start3A_82, %dma_start3A_83] : memref<200x64xf32, #tpu.memory_space<vmem>> -> memref<128x64xf32, #tpu.memory_space<vmem>>
    %dma_start3A_85 = arith.constant 0 : i32
    %dma_start3A_86 = tpu.memref_slice %arg5[%dma_start3A_81, %dma_start3A_85] : memref<128x200xi32, #tpu.memory_space<vmem>> -> memref<1x128xi32, #tpu.memory_space<vmem>>
    %dma_start3A_87 = tpu.memref_squeeze %dma_start3A_86 : memref<1x128xi32, #tpu.memory_space<vmem>> -> memref<128xi32, #tpu.memory_space<vmem>>
    %dma_start3A_88 = arith.constant 0 : i32
    %dma_start3A_89 = arith.constant 0 : i32
    %dma_start3A_90 = tpu.memref_slice %arg3[%dma_start3A_88, %dma_start3A_89] : memref<1000000x64xf32, #tpu.memory_space<hbm>> -> memref<1000000x64xf32, #tpu.memory_space<hbm>>
    tpu.enqueue_indirect_dma source(%dma_start3A_90 : memref<1000000x64xf32, #tpu.memory_space<hbm>>) target(%dma_start3A_84 : memref<128x64xf32, #tpu.memory_space<vmem>>) offsets(%dma_start3A_87 : memref<128xi32, #tpu.memory_space<vmem>>) semaphore(%arg12 : memref<!tpu.dma_semaphore, #tpu.memory_space<semaphore_mem>>)
    %dma_start3A_91 = arith.constant 2 : i32
    %dma_start3A_92 = arith.constant 128 : i32
    %dma_start3A_93 = arith.constant 0 : i32
    %dma_start3A_94 = tpu.memref_slice %arg8[%dma_start3A_92, %dma_start3A_93] : memref<200x64xf32, #tpu.memory_space<vmem>> -> memref<72x64xf32, #tpu.memory_space<vmem>>
    %dma_start3A_95 = arith.constant 128 : i32
    %dma_start3A_96 = tpu.memref_slice %arg5[%dma_start3A_91, %dma_start3A_95] : memref<128x200xi32, #tpu.memory_space<vmem>> -> memref<1x72xi32, #tpu.memory_space<vmem>>
    %dma_start3A_97 = tpu.memref_squeeze %dma_start3A_96 : memref<1x72xi32, #tpu.memory_space<vmem>> -> memref<72xi32, #tpu.memory_space<vmem>>
    %dma_start3A_98 = arith.constant 0 : i32
    %dma_start3A_99 = arith.constant 0 : i32
    %dma_start3A_100 = tpu.memref_slice %arg3[%dma_start3A_98, %dma_start3A_99] : memref<1000000x64xf32, #tpu.memory_space<hbm>> -> memref<1000000x64xf32, #tpu.memory_space<hbm>>
    tpu.enqueue_indirect_dma source(%dma_start3A_100 : memref<1000000x64xf32, #tpu.memory_space<hbm>>) target(%dma_start3A_94 : memref<72x64xf32, #tpu.memory_space<vmem>>) offsets(%dma_start3A_97 : memref<72xi32, #tpu.memory_space<vmem>>) semaphore(%arg12 : memref<!tpu.dma_semaphore, #tpu.memory_space<semaphore_mem>>)
    %dma_wait3A_101 = arith.constant 0 : i32
    %dma_wait3A_102 = arith.constant 0 : i32
    %dma_wait3A_103 = arith.constant 0 : i32
    %dma_wait3A_104 = tpu.memref_slice %arg7[%dma_wait3A_102, %dma_wait3A_103] : memref<200x64xf32, #tpu.memory_space<vmem>> -> memref<128x64xf32, #tpu.memory_space<vmem>>
    %dma_wait3A_105 = arith.constant 0 : i32
    %dma_wait3A_106 = arith.constant 0 : i32
    %dma_wait3A_107 = tpu.memref_slice %arg4[%dma_wait3A_101, %dma_wait3A_105, %dma_wait3A_106] : memref<4096x200x64xf32, #tpu.memory_space<hbm>> -> memref<1x128x64xf32, #tpu.memory_space<hbm>>
    %dma_wait3A_108 = tpu.memref_squeeze %dma_wait3A_107 : memref<1x128x64xf32, #tpu.memory_space<hbm>> -> memref<128x64xf32, #tpu.memory_space<hbm>>
    %dma_wait3A_109 = arith.constant 0 : i32
    %dma_wait3A_110 = arith.constant 0 : i32
    %dma_wait3A_111 = tpu.memref_slice %arg7[%dma_wait3A_109, %dma_wait3A_110] : memref<200x64xf32, #tpu.memory_space<vmem>> -> memref<128x64xf32, #tpu.memory_space<vmem>>
    %dma_wait3A_112 = arith.constant 0 : i32
    %dma_wait3A_113 = arith.constant 0 : i32
    %dma_wait3A_114 = tpu.memref_slice %arg4[%dma_wait3A_101, %dma_wait3A_112, %dma_wait3A_113] : memref<4096x200x64xf32, #tpu.memory_space<hbm>> -> memref<1x128x64xf32, #tpu.memory_space<hbm>>
    %dma_wait3A_115 = tpu.memref_squeeze %dma_wait3A_114 : memref<1x128x64xf32, #tpu.memory_space<hbm>> -> memref<128x64xf32, #tpu.memory_space<hbm>>
    tpu.wait_dma2 semaphore(%arg11 : memref<!tpu.dma_semaphore, #tpu.memory_space<semaphore_mem>>) src(%dma_wait3A_115 : memref<128x64xf32, #tpu.memory_space<hbm>>) dst(%dma_wait3A_111 : memref<128x64xf32, #tpu.memory_space<vmem>>)
    %dma_wait3A_116 = arith.constant 0 : i32
    %dma_wait3A_117 = arith.constant 128 : i32
    %dma_wait3A_118 = arith.constant 0 : i32
    %dma_wait3A_119 = tpu.memref_slice %arg7[%dma_wait3A_117, %dma_wait3A_118] : memref<200x64xf32, #tpu.memory_space<vmem>> -> memref<72x64xf32, #tpu.memory_space<vmem>>
    %dma_wait3A_120 = arith.constant 128 : i32
    %dma_wait3A_121 = arith.constant 0 : i32
    %dma_wait3A_122 = tpu.memref_slice %arg4[%dma_wait3A_116, %dma_wait3A_120, %dma_wait3A_121] : memref<4096x200x64xf32, #tpu.memory_space<hbm>> -> memref<1x72x64xf32, #tpu.memory_space<hbm>>
    %dma_wait3A_123 = tpu.memref_squeeze %dma_wait3A_122 : memref<1x72x64xf32, #tpu.memory_space<hbm>> -> memref<72x64xf32, #tpu.memory_space<hbm>>
    %dma_wait3A_124 = arith.constant 128 : i32
    %dma_wait3A_125 = arith.constant 0 : i32
    %dma_wait3A_126 = tpu.memref_slice %arg7[%dma_wait3A_124, %dma_wait3A_125] : memref<200x64xf32, #tpu.memory_space<vmem>> -> memref<72x64xf32, #tpu.memory_space<vmem>>
    %dma_wait3A_127 = arith.constant 128 : i32
    %dma_wait3A_128 = arith.constant 0 : i32
    %dma_wait3A_129 = tpu.memref_slice %arg4[%dma_wait3A_116, %dma_wait3A_127, %dma_wait3A_128] : memref<4096x200x64xf32, #tpu.memory_space<hbm>> -> memref<1x72x64xf32, #tpu.memory_space<hbm>>
    %dma_wait3A_130 = tpu.memref_squeeze %dma_wait3A_129 : memref<1x72x64xf32, #tpu.memory_space<hbm>> -> memref<72x64xf32, #tpu.memory_space<hbm>>
    tpu.wait_dma2 semaphore(%arg11 : memref<!tpu.dma_semaphore, #tpu.memory_space<semaphore_mem>>) src(%dma_wait3A_130 : memref<72x64xf32, #tpu.memory_space<hbm>>) dst(%dma_wait3A_126 : memref<72x64xf32, #tpu.memory_space<vmem>>)
    %add3A_131 = arith.constant 1 : i32
    %add3A_132 = arith.addi %mul3A_2, %add3A_131 : i32
    %dma_start3A_133 = arith.constant 0 : i32
    %dma_start3A_134 = arith.constant 0 : i32
    %dma_start3A_135 = tpu.memref_slice %arg4[%add3A_132, %dma_start3A_133, %dma_start3A_134] : memref<4096x200x64xf32, #tpu.memory_space<hbm>> -> memref<1x200x64xf32, #tpu.memory_space<hbm>>
    %dma_start3A_136 = tpu.memref_squeeze %dma_start3A_135 : memref<1x200x64xf32, #tpu.memory_space<hbm>> -> memref<200x64xf32, #tpu.memory_space<hbm>>
    %dma_start3A_137 = arith.constant 0 : i32
    %dma_start3A_138 = arith.constant 0 : i32
    %dma_start3A_139 = tpu.memref_slice %arg4[%add3A_132, %dma_start3A_137, %dma_start3A_138] : memref<4096x200x64xf32, #tpu.memory_space<hbm>> -> memref<1x200x64xf32, #tpu.memory_space<hbm>>
    %dma_start3A_140 = tpu.memref_squeeze %dma_start3A_139 : memref<1x200x64xf32, #tpu.memory_space<hbm>> -> memref<200x64xf32, #tpu.memory_space<hbm>>
    tpu.enqueue_dma source(%arg7 : memref<200x64xf32, #tpu.memory_space<vmem>>) target(%dma_start3A_140 : memref<200x64xf32, #tpu.memory_space<hbm>>) target_semaphore(%arg15 : memref<!tpu.dma_semaphore, #tpu.memory_space<semaphore_mem>>)
    %dma_start3A_141 = arith.constant 3 : i32
    %dma_start3A_142 = arith.constant 0 : i32
    %dma_start3A_143 = arith.constant 0 : i32
    %dma_start3A_144 = tpu.memref_slice %arg9[%dma_start3A_142, %dma_start3A_143] : memref<200x64xf32, #tpu.memory_space<vmem>> -> memref<128x64xf32, #tpu.memory_space<vmem>>
    %dma_start3A_145 = arith.constant 0 : i32
    %dma_start3A_146 = tpu.memref_slice %arg5[%dma_start3A_141, %dma_start3A_145] : memref<128x200xi32, #tpu.memory_space<vmem>> -> memref<1x128xi32, #tpu.memory_space<vmem>>
    %dma_start3A_147 = tpu.memref_squeeze %dma_start3A_146 : memref<1x128xi32, #tpu.memory_space<vmem>> -> memref<128xi32, #tpu.memory_space<vmem>>
    %dma_start3A_148 = arith.constant 0 : i32
    %dma_start3A_149 = arith.constant 0 : i32
    %dma_start3A_150 = tpu.memref_slice %arg3[%dma_start3A_148, %dma_start3A_149] : memref<1000000x64xf32, #tpu.memory_space<hbm>> -> memref<1000000x64xf32, #tpu.memory_space<hbm>>
    tpu.enqueue_indirect_dma source(%dma_start3A_150 : memref<1000000x64xf32, #tpu.memory_space<hbm>>) target(%dma_start3A_144 : memref<128x64xf32, #tpu.memory_space<vmem>>) offsets(%dma_start3A_147 : memref<128xi32, #tpu.memory_space<vmem>>) semaphore(%arg13 : memref<!tpu.dma_semaphore, #tpu.memory_space<semaphore_mem>>)
    %dma_start3A_151 = arith.constant 3 : i32
    %dma_start3A_152 = arith.constant 128 : i32
    %dma_start3A_153 = arith.constant 0 : i32
    %dma_start3A_154 = tpu.memref_slice %arg9[%dma_start3A_152, %dma_start3A_153] : memref<200x64xf32, #tpu.memory_space<vmem>> -> memref<72x64xf32, #tpu.memory_space<vmem>>
    %dma_start3A_155 = arith.constant 128 : i32
    %dma_start3A_156 = tpu.memref_slice %arg5[%dma_start3A_151, %dma_start3A_155] : memref<128x200xi32, #tpu.memory_space<vmem>> -> memref<1x72xi32, #tpu.memory_space<vmem>>
    %dma_start3A_157 = tpu.memref_squeeze %dma_start3A_156 : memref<1x72xi32, #tpu.memory_space<vmem>> -> memref<72xi32, #tpu.memory_space<vmem>>
    %dma_start3A_158 = arith.constant 0 : i32
    %dma_start3A_159 = arith.constant 0 : i32
    %dma_start3A_160 = tpu.memref_slice %arg3[%dma_start3A_158, %dma_start3A_159] : memref<1000000x64xf32, #tpu.memory_space<hbm>> -> memref<1000000x64xf32, #tpu.memory_space<hbm>>
    tpu.enqueue_indirect_dma source(%dma_start3A_160 : memref<1000000x64xf32, #tpu.memory_space<hbm>>) target(%dma_start3A_154 : memref<72x64xf32, #tpu.memory_space<vmem>>) offsets(%dma_start3A_157 : memref<72xi32, #tpu.memory_space<vmem>>) semaphore(%arg13 : memref<!tpu.dma_semaphore, #tpu.memory_space<semaphore_mem>>)
    %dma_wait3A_161 = arith.constant 0 : i32
    %dma_wait3A_162 = arith.constant 0 : i32
    %dma_wait3A_163 = arith.constant 0 : i32
    %dma_wait3A_164 = tpu.memref_slice %arg8[%dma_wait3A_162, %dma_wait3A_163] : memref<200x64xf32, #tpu.memory_space<vmem>> -> memref<128x64xf32, #tpu.memory_space<vmem>>
    %dma_wait3A_165 = arith.constant 0 : i32
    %dma_wait3A_166 = arith.constant 0 : i32
    %dma_wait3A_167 = tpu.memref_slice %arg4[%dma_wait3A_161, %dma_wait3A_165, %dma_wait3A_166] : memref<4096x200x64xf32, #tpu.memory_space<hbm>> -> memref<1x128x64xf32, #tpu.memory_space<hbm>>
    %dma_wait3A_168 = tpu.memref_squeeze %dma_wait3A_167 : memref<1x128x64xf32, #tpu.memory_space<hbm>> -> memref<128x64xf32, #tpu.memory_space<hbm>>
    %dma_wait3A_169 = arith.constant 0 : i32
    %dma_wait3A_170 = arith.constant 0 : i32
    %dma_wait3A_171 = tpu.memref_slice %arg8[%dma_wait3A_169, %dma_wait3A_170] : memref<200x64xf32, #tpu.memory_space<vmem>> -> memref<128x64xf32, #tpu.memory_space<vmem>>
    %dma_wait3A_172 = arith.constant 0 : i32
    %dma_wait3A_173 = arith.constant 0 : i32
    %dma_wait3A_174 = tpu.memref_slice %arg4[%dma_wait3A_161, %dma_wait3A_172, %dma_wait3A_173] : memref<4096x200x64xf32, #tpu.memory_space<hbm>> -> memref<1x128x64xf32, #tpu.memory_space<hbm>>
    %dma_wait3A_175 = tpu.memref_squeeze %dma_wait3A_174 : memref<1x128x64xf32, #tpu.memory_space<hbm>> -> memref<128x64xf32, #tpu.memory_space<hbm>>
    tpu.wait_dma2 semaphore(%arg12 : memref<!tpu.dma_semaphore, #tpu.memory_space<semaphore_mem>>) src(%dma_wait3A_175 : memref<128x64xf32, #tpu.memory_space<hbm>>) dst(%dma_wait3A_171 : memref<128x64xf32, #tpu.memory_space<vmem>>)
    %dma_wait3A_176 = arith.constant 0 : i32
    %dma_wait3A_177 = arith.constant 128 : i32
    %dma_wait3A_178 = arith.constant 0 : i32
    %dma_wait3A_179 = tpu.memref_slice %arg8[%dma_wait3A_177, %dma_wait3A_178] : memref<200x64xf32, #tpu.memory_space<vmem>> -> memref<72x64xf32, #tpu.memory_space<vmem>>
    %dma_wait3A_180 = arith.constant 128 : i32
    %dma_wait3A_181 = arith.constant 0 : i32
    %dma_wait3A_182 = tpu.memref_slice %arg4[%dma_wait3A_176, %dma_wait3A_180, %dma_wait3A_181] : memref<4096x200x64xf32, #tpu.memory_space<hbm>> -> memref<1x72x64xf32, #tpu.memory_space<hbm>>
    %dma_wait3A_183 = tpu.memref_squeeze %dma_wait3A_182 : memref<1x72x64xf32, #tpu.memory_space<hbm>> -> memref<72x64xf32, #tpu.memory_space<hbm>>
    %dma_wait3A_184 = arith.constant 128 : i32
    %dma_wait3A_185 = arith.constant 0 : i32
    %dma_wait3A_186 = tpu.memref_slice %arg8[%dma_wait3A_184, %dma_wait3A_185] : memref<200x64xf32, #tpu.memory_space<vmem>> -> memref<72x64xf32, #tpu.memory_space<vmem>>
    %dma_wait3A_187 = arith.constant 128 : i32
    %dma_wait3A_188 = arith.constant 0 : i32
    %dma_wait3A_189 = tpu.memref_slice %arg4[%dma_wait3A_176, %dma_wait3A_187, %dma_wait3A_188] : memref<4096x200x64xf32, #tpu.memory_space<hbm>> -> memref<1x72x64xf32, #tpu.memory_space<hbm>>
    %dma_wait3A_190 = tpu.memref_squeeze %dma_wait3A_189 : memref<1x72x64xf32, #tpu.memory_space<hbm>> -> memref<72x64xf32, #tpu.memory_space<hbm>>
    tpu.wait_dma2 semaphore(%arg12 : memref<!tpu.dma_semaphore, #tpu.memory_space<semaphore_mem>>) src(%dma_wait3A_190 : memref<72x64xf32, #tpu.memory_space<hbm>>) dst(%dma_wait3A_186 : memref<72x64xf32, #tpu.memory_space<vmem>>)
    %add3A_191 = arith.constant 2 : i32
    %add3A_192 = arith.addi %mul3A_2, %add3A_191 : i32
    %dma_start3A_193 = arith.constant 0 : i32
    %dma_start3A_194 = arith.constant 0 : i32
    %dma_start3A_195 = tpu.memref_slice %arg4[%add3A_192, %dma_start3A_193, %dma_start3A_194] : memref<4096x200x64xf32, #tpu.memory_space<hbm>> -> memref<1x200x64xf32, #tpu.memory_space<hbm>>
    %dma_start3A_196 = tpu.memref_squeeze %dma_start3A_195 : memref<1x200x64xf32, #tpu.memory_space<hbm>> -> memref<200x64xf32, #tpu.memory_space<hbm>>
    %dma_start3A_197 = arith.constant 0 : i32
    %dma_start3A_198 = arith.constant 0 : i32
    %dma_start3A_199 = tpu.memref_slice %arg4[%add3A_192, %dma_start3A_197, %dma_start3A_198] : memref<4096x200x64xf32, #tpu.memory_space<hbm>> -> memref<1x200x64xf32, #tpu.memory_space<hbm>>
    %dma_start3A_200 = tpu.memref_squeeze %dma_start3A_199 : memref<1x200x64xf32, #tpu.memory_space<hbm>> -> memref<200x64xf32, #tpu.memory_space<hbm>>
    tpu.enqueue_dma source(%arg8 : memref<200x64xf32, #tpu.memory_space<vmem>>) target(%dma_start3A_200 : memref<200x64xf32, #tpu.memory_space<hbm>>) target_semaphore(%arg16 : memref<!tpu.dma_semaphore, #tpu.memory_space<semaphore_mem>>)
    %dma_wait3A_201 = arith.constant 0 : i32
    %dma_wait3A_202 = arith.constant 0 : i32
    %dma_wait3A_203 = arith.constant 0 : i32
    %dma_wait3A_204 = tpu.memref_slice %arg4[%dma_wait3A_201, %dma_wait3A_202, %dma_wait3A_203] : memref<4096x200x64xf32, #tpu.memory_space<hbm>> -> memref<1x200x64xf32, #tpu.memory_space<hbm>>
    %dma_wait3A_205 = tpu.memref_squeeze %dma_wait3A_204 : memref<1x200x64xf32, #tpu.memory_space<hbm>> -> memref<200x64xf32, #tpu.memory_space<hbm>>
    %dma_wait3A_206 = arith.constant 0 : i32
    %dma_wait3A_207 = arith.constant 0 : i32
    %dma_wait3A_208 = tpu.memref_slice %arg4[%dma_wait3A_201, %dma_wait3A_206, %dma_wait3A_207] : memref<4096x200x64xf32, #tpu.memory_space<hbm>> -> memref<1x200x64xf32, #tpu.memory_space<hbm>>
    %dma_wait3A_209 = tpu.memref_squeeze %dma_wait3A_208 : memref<1x200x64xf32, #tpu.memory_space<hbm>> -> memref<200x64xf32, #tpu.memory_space<hbm>>
    tpu.wait_dma2 semaphore(%arg14 : memref<!tpu.dma_semaphore, #tpu.memory_space<semaphore_mem>>) src(%arg6 : memref<200x64xf32, #tpu.memory_space<vmem>>) dst(%dma_wait3A_209 : memref<200x64xf32, #tpu.memory_space<hbm>>)
    %dma_start3A_210 = arith.constant 4 : i32
    %dma_start3A_211 = arith.constant 0 : i32
    %dma_start3A_212 = arith.constant 0 : i32
    %dma_start3A_213 = tpu.memref_slice %arg6[%dma_start3A_211, %dma_start3A_212] : memref<200x64xf32, #tpu.memory_space<vmem>> -> memref<128x64xf32, #tpu.memory_space<vmem>>
    %dma_start3A_214 = arith.constant 0 : i32
    %dma_start3A_215 = tpu.memref_slice %arg5[%dma_start3A_210, %dma_start3A_214] : memref<128x200xi32, #tpu.memory_space<vmem>> -> memref<1x128xi32, #tpu.memory_space<vmem>>
    %dma_start3A_216 = tpu.memref_squeeze %dma_start3A_215 : memref<1x128xi32, #tpu.memory_space<vmem>> -> memref<128xi32, #tpu.memory_space<vmem>>
    %dma_start3A_217 = arith.constant 0 : i32
    %dma_start3A_218 = arith.constant 0 : i32
    %dma_start3A_219 = tpu.memref_slice %arg3[%dma_start3A_217, %dma_start3A_218] : memref<1000000x64xf32, #tpu.memory_space<hbm>> -> memref<1000000x64xf32, #tpu.memory_space<hbm>>
    tpu.enqueue_indirect_dma source(%dma_start3A_219 : memref<1000000x64xf32, #tpu.memory_space<hbm>>) target(%dma_start3A_213 : memref<128x64xf32, #tpu.memory_space<vmem>>) offsets(%dma_start3A_216 : memref<128xi32, #tpu.memory_space<vmem>>) semaphore(%arg10 : memref<!tpu.dma_semaphore, #tpu.memory_space<semaphore_mem>>)
    %dma_start3A_220 = arith.constant 4 : i32
    %dma_start3A_221 = arith.constant 128 : i32
    %dma_start3A_222 = arith.constant 0 : i32
    %dma_start3A_223 = tpu.memref_slice %arg6[%dma_start3A_221, %dma_start3A_222] : memref<200x64xf32, #tpu.memory_space<vmem>> -> memref<72x64xf32, #tpu.memory_space<vmem>>
    %dma_start3A_224 = arith.constant 128 : i32
    %dma_start3A_225 = tpu.memref_slice %arg5[%dma_start3A_220, %dma_start3A_224] : memref<128x200xi32, #tpu.memory_space<vmem>> -> memref<1x72xi32, #tpu.memory_space<vmem>>
    %dma_start3A_226 = tpu.memref_squeeze %dma_start3A_225 : memref<1x72xi32, #tpu.memory_space<vmem>> -> memref<72xi32, #tpu.memory_space<vmem>>
    %dma_start3A_227 = arith.constant 0 : i32
    %dma_start3A_228 = arith.constant 0 : i32
    %dma_start3A_229 = tpu.memref_slice %arg3[%dma_start3A_227, %dma_start3A_228] : memref<1000000x64xf32, #tpu.memory_space<hbm>> -> memref<1000000x64xf32, #tpu.memory_space<hbm>>
    tpu.enqueue_indirect_dma source(%dma_start3A_229 : memref<1000000x64xf32, #tpu.memory_space<hbm>>) target(%dma_start3A_223 : memref<72x64xf32, #tpu.memory_space<vmem>>) offsets(%dma_start3A_226 : memref<72xi32, #tpu.memory_space<vmem>>) semaphore(%arg10 : memref<!tpu.dma_semaphore, #tpu.memory_space<semaphore_mem>>)
    %dma_wait3A_230 = arith.constant 0 : i32
    %dma_wait3A_231 = arith.constant 0 : i32
    %dma_wait3A_232 = arith.constant 0 : i32
    %dma_wait3A_233 = tpu.memref_slice %arg9[%dma_wait3A_231, %dma_wait3A_232] : memref<200x64xf32, #tpu.memory_space<vmem>> -> memref<128x64xf32, #tpu.memory_space<vmem>>
    %dma_wait3A_234 = arith.constant 0 : i32
    %dma_wait3A_235 = arith.constant 0 : i32
    %dma_wait3A_236 = tpu.memref_slice %arg4[%dma_wait3A_230, %dma_wait3A_234, %dma_wait3A_235] : memref<4096x200x64xf32, #tpu.memory_space<hbm>> -> memref<1x128x64xf32, #tpu.memory_space<hbm>>
    %dma_wait3A_237 = tpu.memref_squeeze %dma_wait3A_236 : memref<1x128x64xf32, #tpu.memory_space<hbm>> -> memref<128x64xf32, #tpu.memory_space<hbm>>
    %dma_wait3A_238 = arith.constant 0 : i32
    %dma_wait3A_239 = arith.constant 0 : i32
    %dma_wait3A_240 = tpu.memref_slice %arg9[%dma_wait3A_238, %dma_wait3A_239] : memref<200x64xf32, #tpu.memory_space<vmem>> -> memref<128x64xf32, #tpu.memory_space<vmem>>
    %dma_wait3A_241 = arith.constant 0 : i32
    %dma_wait3A_242 = arith.constant 0 : i32
    %dma_wait3A_243 = tpu.memref_slice %arg4[%dma_wait3A_230, %dma_wait3A_241, %dma_wait3A_242] : memref<4096x200x64xf32, #tpu.memory_space<hbm>> -> memref<1x128x64xf32, #tpu.memory_space<hbm>>
    %dma_wait3A_244 = tpu.memref_squeeze %dma_wait3A_243 : memref<1x128x64xf32, #tpu.memory_space<hbm>> -> memref<128x64xf32, #tpu.memory_space<hbm>>
    tpu.wait_dma2 semaphore(%arg13 : memref<!tpu.dma_semaphore, #tpu.memory_space<semaphore_mem>>) src(%dma_wait3A_244 : memref<128x64xf32, #tpu.memory_space<hbm>>) dst(%dma_wait3A_240 : memref<128x64xf32, #tpu.memory_space<vmem>>)
    %dma_wait3A_245 = arith.constant 0 : i32
    %dma_wait3A_246 = arith.constant 128 : i32
    %dma_wait3A_247 = arith.constant 0 : i32
    %dma_wait3A_248 = tpu.memref_slice %arg9[%dma_wait3A_246, %dma_wait3A_247] : memref<200x64xf32, #tpu.memory_space<vmem>> -> memref<72x64xf32, #tpu.memory_space<vmem>>
    %dma_wait3A_249 = arith.constant 128 : i32
    %dma_wait3A_250 = arith.constant 0 : i32
    %dma_wait3A_251 = tpu.memref_slice %arg4[%dma_wait3A_245, %dma_wait3A_249, %dma_wait3A_250] : memref<4096x200x64xf32, #tpu.memory_space<hbm>> -> memref<1x72x64xf32, #tpu.memory_space<hbm>>
    %dma_wait3A_252 = tpu.memref_squeeze %dma_wait3A_251 : memref<1x72x64xf32, #tpu.memory_space<hbm>> -> memref<72x64xf32, #tpu.memory_space<hbm>>
    %dma_wait3A_253 = arith.constant 128 : i32
    %dma_wait3A_254 = arith.constant 0 : i32
    %dma_wait3A_255 = tpu.memref_slice %arg9[%dma_wait3A_253, %dma_wait3A_254] : memref<200x64xf32, #tpu.memory_space<vmem>> -> memref<72x64xf32, #tpu.memory_space<vmem>>
    %dma_wait3A_256 = arith.constant 128 : i32
    %dma_wait3A_257 = arith.constant 0 : i32
    %dma_wait3A_258 = tpu.memref_slice %arg4[%dma_wait3A_245, %dma_wait3A_256, %dma_wait3A_257] : memref<4096x200x64xf32, #tpu.memory_space<hbm>> -> memref<1x72x64xf32, #tpu.memory_space<hbm>>
    %dma_wait3A_259 = tpu.memref_squeeze %dma_wait3A_258 : memref<1x72x64xf32, #tpu.memory_space<hbm>> -> memref<72x64xf32, #tpu.memory_space<hbm>>
    tpu.wait_dma2 semaphore(%arg13 : memref<!tpu.dma_semaphore, #tpu.memory_space<semaphore_mem>>) src(%dma_wait3A_259 : memref<72x64xf32, #tpu.memory_space<hbm>>) dst(%dma_wait3A_255 : memref<72x64xf32, #tpu.memory_space<vmem>>)
    %add3A_260 = arith.constant 3 : i32
    %add3A_261 = arith.addi %mul3A_2, %add3A_260 : i32
    %dma_start3A_262 = arith.constant 0 : i32
    %dma_start3A_263 = arith.constant 0 : i32
    %dma_start3A_264 = tpu.memref_slice %arg4[%add3A_261, %dma_start3A_262, %dma_start3A_263] : memref<4096x200x64xf32, #tpu.memory_space<hbm>> -> memref<1x200x64xf32, #tpu.memory_space<hbm>>
    %dma_start3A_265 = tpu.memref_squeeze %dma_start3A_264 : memref<1x200x64xf32, #tpu.memory_space<hbm>> -> memref<200x64xf32, #tpu.memory_space<hbm>>
    %dma_start3A_266 = arith.constant 0 : i32
    %dma_start3A_267 = arith.constant 0 : i32
    %dma_start3A_268 = tpu.memref_slice %arg4[%add3A_261, %dma_start3A_266, %dma_start3A_267] : memref<4096x200x64xf32, #tpu.memory_space<hbm>> -> memref<1x200x64xf32, #tpu.memory_space<hbm>>
    %dma_start3A_269 = tpu.memref_squeeze %dma_start3A_268 : memref<1x200x64xf32, #tpu.memory_space<hbm>> -> memref<200x64xf32, #tpu.memory_space<hbm>>
    tpu.enqueue_dma source(%arg9 : memref<200x64xf32, #tpu.memory_space<vmem>>) target(%dma_start3A_269 : memref<200x64xf32, #tpu.memory_space<hbm>>) target_semaphore(%arg17 : memref<!tpu.dma_semaphore, #tpu.memory_space<semaphore_mem>>)
    %dma_wait3A_270 = arith.constant 0 : i32
    %dma_wait3A_271 = arith.constant 0 : i32
    %dma_wait3A_272 = arith.constant 0 : i32
    %dma_wait3A_273 = tpu.memref_slice %arg4[%dma_wait3A_270, %dma_wait3A_271, %dma_wait3A_272] : memref<4096x200x64xf32, #tpu.memory_space<hbm>> -> memref<1x200x64xf32, #tpu.memory_space<hbm>>
    %dma_wait3A_274 = tpu.memref_squeeze %dma_wait3A_273 : memref<1x200x64xf32, #tpu.memory_space<hbm>> -> memref<200x64xf32, #tpu.memory_space<hbm>>
    %dma_wait3A_275 = arith.constant 0 : i32
    %dma_wait3A_276 = arith.constant 0 : i32
    %dma_wait3A_277 = tpu.memref_slice %arg4[%dma_wait3A_270, %dma_wait3A_275, %dma_wait3A_276] : memref<4096x200x64xf32, #tpu.memory_space<hbm>> -> memref<1x200x64xf32, #tpu.memory_space<hbm>>
    %dma_wait3A_278 = tpu.memref_squeeze %dma_wait3A_277 : memref<1x200x64xf32, #tpu.memory_space<hbm>> -> memref<200x64xf32, #tpu.memory_space<hbm>>
    tpu.wait_dma2 semaphore(%arg15 : memref<!tpu.dma_semaphore, #tpu.memory_space<semaphore_mem>>) src(%arg7 : memref<200x64xf32, #tpu.memory_space<vmem>>) dst(%dma_wait3A_278 : memref<200x64xf32, #tpu.memory_space<hbm>>)
    %dma_start3A_279 = arith.constant 5 : i32
    %dma_start3A_280 = arith.constant 0 : i32
    %dma_start3A_281 = arith.constant 0 : i32
    %dma_start3A_282 = tpu.memref_slice %arg7[%dma_start3A_280, %dma_start3A_281] : memref<200x64xf32, #tpu.memory_space<vmem>> -> memref<128x64xf32, #tpu.memory_space<vmem>>
    %dma_start3A_283 = arith.constant 0 : i32
    %dma_start3A_284 = tpu.memref_slice %arg5[%dma_start3A_279, %dma_start3A_283] : memref<128x200xi32, #tpu.memory_space<vmem>> -> memref<1x128xi32, #tpu.memory_space<vmem>>
    %dma_start3A_285 = tpu.memref_squeeze %dma_start3A_284 : memref<1x128xi32, #tpu.memory_space<vmem>> -> memref<128xi32, #tpu.memory_space<vmem>>
    %dma_start3A_286 = arith.constant 0 : i32
    %dma_start3A_287 = arith.constant 0 : i32
    %dma_start3A_288 = tpu.memref_slice %arg3[%dma_start3A_286, %dma_start3A_287] : memref<1000000x64xf32, #tpu.memory_space<hbm>> -> memref<1000000x64xf32, #tpu.memory_space<hbm>>
    tpu.enqueue_indirect_dma source(%dma_start3A_288 : memref<1000000x64xf32, #tpu.memory_space<hbm>>) target(%dma_start3A_282 : memref<128x64xf32, #tpu.memory_space<vmem>>) offsets(%dma_start3A_285 : memref<128xi32, #tpu.memory_space<vmem>>) semaphore(%arg11 : memref<!tpu.dma_semaphore, #tpu.memory_space<semaphore_mem>>)
    %dma_start3A_289 = arith.constant 5 : i32
    %dma_start3A_290 = arith.constant 128 : i32
    %dma_start3A_291 = arith.constant 0 : i32
    %dma_start3A_292 = tpu.memref_slice %arg7[%dma_start3A_290, %dma_start3A_291] : memref<200x64xf32, #tpu.memory_space<vmem>> -> memref<72x64xf32, #tpu.memory_space<vmem>>
    %dma_start3A_293 = arith.constant 128 : i32
    %dma_start3A_294 = tpu.memref_slice %arg5[%dma_start3A_289, %dma_start3A_293] : memref<128x200xi32, #tpu.memory_space<vmem>> -> memref<1x72xi32, #tpu.memory_space<vmem>>
    %dma_start3A_295 = tpu.memref_squeeze %dma_start3A_294 : memref<1x72xi32, #tpu.memory_space<vmem>> -> memref<72xi32, #tpu.memory_space<vmem>>
    %dma_start3A_296 = arith.constant 0 : i32
    %dma_start3A_297 = arith.constant 0 : i32
    %dma_start3A_298 = tpu.memref_slice %arg3[%dma_start3A_296, %dma_start3A_297] : memref<1000000x64xf32, #tpu.memory_space<hbm>> -> memref<1000000x64xf32, #tpu.memory_space<hbm>>
    tpu.enqueue_indirect_dma source(%dma_start3A_298 : memref<1000000x64xf32, #tpu.memory_space<hbm>>) target(%dma_start3A_292 : memref<72x64xf32, #tpu.memory_space<vmem>>) offsets(%dma_start3A_295 : memref<72xi32, #tpu.memory_space<vmem>>) semaphore(%arg11 : memref<!tpu.dma_semaphore, #tpu.memory_space<semaphore_mem>>)
    %scan3A = arith.constant 0 : i32
    %scan3A_299 = arith.constant 1 : i32
    %scan3A_300 = arith.constant 30 : i32
    %scan3A_301 = arith.addi %scan3A_299, %scan3A_300 : i32
    %scan3A_302 = arith.constant 1 : i32
    scf.for %scan3A_558 = %scan3A_299 to %scan3A_301 step %scan3A_302  : i32 {
      %mul3A_559 = arith.constant 4 : i32
      %mul3A_560 = arith.muli %scan3A_558, %mul3A_559 : i32
      %add3A_561 = arith.constant 0 : i32
      %add3A_562 = arith.addi %mul3A_560, %add3A_561 : i32
      %dma_wait3A_563 = arith.constant 0 : i32
      %dma_wait3A_564 = arith.constant 0 : i32
      %dma_wait3A_565 = arith.constant 0 : i32
      %dma_wait3A_566 = tpu.memref_slice %arg6[%dma_wait3A_564, %dma_wait3A_565] : memref<200x64xf32, #tpu.memory_space<vmem>> -> memref<128x64xf32, #tpu.memory_space<vmem>>
      %dma_wait3A_567 = arith.constant 0 : i32
      %dma_wait3A_568 = arith.constant 0 : i32
      %dma_wait3A_569 = tpu.memref_slice %arg4[%dma_wait3A_563, %dma_wait3A_567, %dma_wait3A_568] : memref<4096x200x64xf32, #tpu.memory_space<hbm>> -> memref<1x128x64xf32, #tpu.memory_space<hbm>>
      %dma_wait3A_570 = tpu.memref_squeeze %dma_wait3A_569 : memref<1x128x64xf32, #tpu.memory_space<hbm>> -> memref<128x64xf32, #tpu.memory_space<hbm>>
      %dma_wait3A_571 = arith.constant 0 : i32
      %dma_wait3A_572 = arith.constant 0 : i32
      %dma_wait3A_573 = tpu.memref_slice %arg6[%dma_wait3A_571, %dma_wait3A_572] : memref<200x64xf32, #tpu.memory_space<vmem>> -> memref<128x64xf32, #tpu.memory_space<vmem>>
      %dma_wait3A_574 = arith.constant 0 : i32
      %dma_wait3A_575 = arith.constant 0 : i32
      %dma_wait3A_576 = tpu.memref_slice %arg4[%dma_wait3A_563, %dma_wait3A_574, %dma_wait3A_575] : memref<4096x200x64xf32, #tpu.memory_space<hbm>> -> memref<1x128x64xf32, #tpu.memory_space<hbm>>
      %dma_wait3A_577 = tpu.memref_squeeze %dma_wait3A_576 : memref<1x128x64xf32, #tpu.memory_space<hbm>> -> memref<128x64xf32, #tpu.memory_space<hbm>>
      tpu.wait_dma2 semaphore(%arg10 : memref<!tpu.dma_semaphore, #tpu.memory_space<semaphore_mem>>) src(%dma_wait3A_577 : memref<128x64xf32, #tpu.memory_space<hbm>>) dst(%dma_wait3A_573 : memref<128x64xf32, #tpu.memory_space<vmem>>)
      %dma_wait3A_578 = arith.constant 0 : i32
      %dma_wait3A_579 = arith.constant 128 : i32
      %dma_wait3A_580 = arith.constant 0 : i32
      %dma_wait3A_581 = tpu.memref_slice %arg6[%dma_wait3A_579, %dma_wait3A_580] : memref<200x64xf32, #tpu.memory_space<vmem>> -> memref<72x64xf32, #tpu.memory_space<vmem>>
      %dma_wait3A_582 = arith.constant 128 : i32
      %dma_wait3A_583 = arith.constant 0 : i32
      %dma_wait3A_584 = tpu.memref_slice %arg4[%dma_wait3A_578, %dma_wait3A_582, %dma_wait3A_583] : memref<4096x200x64xf32, #tpu.memory_space<hbm>> -> memref<1x72x64xf32, #tpu.memory_space<hbm>>
      %dma_wait3A_585 = tpu.memref_squeeze %dma_wait3A_584 : memref<1x72x64xf32, #tpu.memory_space<hbm>> -> memref<72x64xf32, #tpu.memory_space<hbm>>
      %dma_wait3A_586 = arith.constant 128 : i32
      %dma_wait3A_587 = arith.constant 0 : i32
      %dma_wait3A_588 = tpu.memref_slice %arg6[%dma_wait3A_586, %dma_wait3A_587] : memref<200x64xf32, #tpu.memory_space<vmem>> -> memref<72x64xf32, #tpu.memory_space<vmem>>
      %dma_wait3A_589 = arith.constant 128 : i32
      %dma_wait3A_590 = arith.constant 0 : i32
      %dma_wait3A_591 = tpu.memref_slice %arg4[%dma_wait3A_578, %dma_wait3A_589, %dma_wait3A_590] : memref<4096x200x64xf32, #tpu.memory_space<hbm>> -> memref<1x72x64xf32, #tpu.memory_space<hbm>>
      %dma_wait3A_592 = tpu.memref_squeeze %dma_wait3A_591 : memref<1x72x64xf32, #tpu.memory_space<hbm>> -> memref<72x64xf32, #tpu.memory_space<hbm>>
      tpu.wait_dma2 semaphore(%arg10 : memref<!tpu.dma_semaphore, #tpu.memory_space<semaphore_mem>>) src(%dma_wait3A_592 : memref<72x64xf32, #tpu.memory_space<hbm>>) dst(%dma_wait3A_588 : memref<72x64xf32, #tpu.memory_space<vmem>>)
      %add3A_593 = arith.addi %mul3A_2, %add3A_562 : i32
      %dma_start3A_594 = arith.constant 0 : i32
      %dma_start3A_595 = arith.constant 0 : i32
      %dma_start3A_596 = tpu.memref_slice %arg4[%add3A_593, %dma_start3A_594, %dma_start3A_595] : memref<4096x200x64xf32, #tpu.memory_space<hbm>> -> memref<1x200x64xf32, #tpu.memory_space<hbm>>
      %dma_start3A_597 = tpu.memref_squeeze %dma_start3A_596 : memref<1x200x64xf32, #tpu.memory_space<hbm>> -> memref<200x64xf32, #tpu.memory_space<hbm>>
      %dma_start3A_598 = arith.constant 0 : i32
      %dma_start3A_599 = arith.constant 0 : i32
      %dma_start3A_600 = tpu.memref_slice %arg4[%add3A_593, %dma_start3A_598, %dma_start3A_599] : memref<4096x200x64xf32, #tpu.memory_space<hbm>> -> memref<1x200x64xf32, #tpu.memory_space<hbm>>
      %dma_start3A_601 = tpu.memref_squeeze %dma_start3A_600 : memref<1x200x64xf32, #tpu.memory_space<hbm>> -> memref<200x64xf32, #tpu.memory_space<hbm>>
      tpu.enqueue_dma source(%arg6 : memref<200x64xf32, #tpu.memory_space<vmem>>) target(%dma_start3A_601 : memref<200x64xf32, #tpu.memory_space<hbm>>) target_semaphore(%arg14 : memref<!tpu.dma_semaphore, #tpu.memory_space<semaphore_mem>>)
      %dma_wait3A_602 = arith.constant 0 : i32
      %dma_wait3A_603 = arith.constant 0 : i32
      %dma_wait3A_604 = arith.constant 0 : i32
      %dma_wait3A_605 = tpu.memref_slice %arg4[%dma_wait3A_602, %dma_wait3A_603, %dma_wait3A_604] : memref<4096x200x64xf32, #tpu.memory_space<hbm>> -> memref<1x200x64xf32, #tpu.memory_space<hbm>>
      %dma_wait3A_606 = tpu.memref_squeeze %dma_wait3A_605 : memref<1x200x64xf32, #tpu.memory_space<hbm>> -> memref<200x64xf32, #tpu.memory_space<hbm>>
      %dma_wait3A_607 = arith.constant 0 : i32
      %dma_wait3A_608 = arith.constant 0 : i32
      %dma_wait3A_609 = tpu.memref_slice %arg4[%dma_wait3A_602, %dma_wait3A_607, %dma_wait3A_608] : memref<4096x200x64xf32, #tpu.memory_space<hbm>> -> memref<1x200x64xf32, #tpu.memory_space<hbm>>
      %dma_wait3A_610 = tpu.memref_squeeze %dma_wait3A_609 : memref<1x200x64xf32, #tpu.memory_space<hbm>> -> memref<200x64xf32, #tpu.memory_space<hbm>>
      tpu.wait_dma2 semaphore(%arg16 : memref<!tpu.dma_semaphore, #tpu.memory_space<semaphore_mem>>) src(%arg8 : memref<200x64xf32, #tpu.memory_space<vmem>>) dst(%dma_wait3A_610 : memref<200x64xf32, #tpu.memory_space<hbm>>)
      %add3A_611 = arith.constant 2 : i32
      %add3A_612 = arith.addi %add3A_562, %add3A_611 : i32
      %dma_start3A_613 = arith.constant 0 : i32
      %dma_start3A_614 = arith.constant 0 : i32
      %dma_start3A_615 = tpu.memref_slice %arg8[%dma_start3A_613, %dma_start3A_614] : memref<200x64xf32, #tpu.memory_space<vmem>> -> memref<128x64xf32, #tpu.memory_space<vmem>>
      %dma_start3A_616 = arith.constant 0 : i32
      %dma_start3A_617 = tpu.memref_slice %arg5[%add3A_612, %dma_start3A_616] : memref<128x200xi32, #tpu.memory_space<vmem>> -> memref<1x128xi32, #tpu.memory_space<vmem>>
      %dma_start3A_618 = tpu.memref_squeeze %dma_start3A_617 : memref<1x128xi32, #tpu.memory_space<vmem>> -> memref<128xi32, #tpu.memory_space<vmem>>
      %dma_start3A_619 = arith.constant 0 : i32
      %dma_start3A_620 = arith.constant 0 : i32
      %dma_start3A_621 = tpu.memref_slice %arg3[%dma_start3A_619, %dma_start3A_620] : memref<1000000x64xf32, #tpu.memory_space<hbm>> -> memref<1000000x64xf32, #tpu.memory_space<hbm>>
      tpu.enqueue_indirect_dma source(%dma_start3A_621 : memref<1000000x64xf32, #tpu.memory_space<hbm>>) target(%dma_start3A_615 : memref<128x64xf32, #tpu.memory_space<vmem>>) offsets(%dma_start3A_618 : memref<128xi32, #tpu.memory_space<vmem>>) semaphore(%arg12 : memref<!tpu.dma_semaphore, #tpu.memory_space<semaphore_mem>>)
      %dma_start3A_622 = arith.constant 128 : i32
      %dma_start3A_623 = arith.constant 0 : i32
      %dma_start3A_624 = tpu.memref_slice %arg8[%dma_start3A_622, %dma_start3A_623] : memref<200x64xf32, #tpu.memory_space<vmem>> -> memref<72x64xf32, #tpu.memory_space<vmem>>
      %dma_start3A_625 = arith.constant 128 : i32
      %dma_start3A_626 = tpu.memref_slice %arg5[%add3A_612, %dma_start3A_625] : memref<128x200xi32, #tpu.memory_space<vmem>> -> memref<1x72xi32, #tpu.memory_space<vmem>>
      %dma_start3A_627 = tpu.memref_squeeze %dma_start3A_626 : memref<1x72xi32, #tpu.memory_space<vmem>> -> memref<72xi32, #tpu.memory_space<vmem>>
      %dma_start3A_628 = arith.constant 0 : i32
      %dma_start3A_629 = arith.constant 0 : i32
      %dma_start3A_630 = tpu.memref_slice %arg3[%dma_start3A_628, %dma_start3A_629] : memref<1000000x64xf32, #tpu.memory_space<hbm>> -> memref<1000000x64xf32, #tpu.memory_space<hbm>>
      tpu.enqueue_indirect_dma source(%dma_start3A_630 : memref<1000000x64xf32, #tpu.memory_space<hbm>>) target(%dma_start3A_624 : memref<72x64xf32, #tpu.memory_space<vmem>>) offsets(%dma_start3A_627 : memref<72xi32, #tpu.memory_space<vmem>>) semaphore(%arg12 : memref<!tpu.dma_semaphore, #tpu.memory_space<semaphore_mem>>)
      %add3A_631 = arith.constant 1 : i32
      %add3A_632 = arith.addi %mul3A_560, %add3A_631 : i32
      %dma_wait3A_633 = arith.constant 0 : i32
      %dma_wait3A_634 = arith.constant 0 : i32
      %dma_wait3A_635 = arith.constant 0 : i32
      %dma_wait3A_636 = tpu.memref_slice %arg7[%dma_wait3A_634, %dma_wait3A_635] : memref<200x64xf32, #tpu.memory_space<vmem>> -> memref<128x64xf32, #tpu.memory_space<vmem>>
      %dma_wait3A_637 = arith.constant 0 : i32
      %dma_wait3A_638 = arith.constant 0 : i32
      %dma_wait3A_639 = tpu.memref_slice %arg4[%dma_wait3A_633, %dma_wait3A_637, %dma_wait3A_638] : memref<4096x200x64xf32, #tpu.memory_space<hbm>> -> memref<1x128x64xf32, #tpu.memory_space<hbm>>
      %dma_wait3A_640 = tpu.memref_squeeze %dma_wait3A_639 : memref<1x128x64xf32, #tpu.memory_space<hbm>> -> memref<128x64xf32, #tpu.memory_space<hbm>>
      %dma_wait3A_641 = arith.constant 0 : i32
      %dma_wait3A_642 = arith.constant 0 : i32
      %dma_wait3A_643 = tpu.memref_slice %arg7[%dma_wait3A_641, %dma_wait3A_642] : memref<200x64xf32, #tpu.memory_space<vmem>> -> memref<128x64xf32, #tpu.memory_space<vmem>>
      %dma_wait3A_644 = arith.constant 0 : i32
      %dma_wait3A_645 = arith.constant 0 : i32
      %dma_wait3A_646 = tpu.memref_slice %arg4[%dma_wait3A_633, %dma_wait3A_644, %dma_wait3A_645] : memref<4096x200x64xf32, #tpu.memory_space<hbm>> -> memref<1x128x64xf32, #tpu.memory_space<hbm>>
      %dma_wait3A_647 = tpu.memref_squeeze %dma_wait3A_646 : memref<1x128x64xf32, #tpu.memory_space<hbm>> -> memref<128x64xf32, #tpu.memory_space<hbm>>
      tpu.wait_dma2 semaphore(%arg11 : memref<!tpu.dma_semaphore, #tpu.memory_space<semaphore_mem>>) src(%dma_wait3A_647 : memref<128x64xf32, #tpu.memory_space<hbm>>) dst(%dma_wait3A_643 : memref<128x64xf32, #tpu.memory_space<vmem>>)
      %dma_wait3A_648 = arith.constant 0 : i32
      %dma_wait3A_649 = arith.constant 128 : i32
      %dma_wait3A_650 = arith.constant 0 : i32
      %dma_wait3A_651 = tpu.memref_slice %arg7[%dma_wait3A_649, %dma_wait3A_650] : memref<200x64xf32, #tpu.memory_space<vmem>> -> memref<72x64xf32, #tpu.memory_space<vmem>>
      %dma_wait3A_652 = arith.constant 128 : i32
      %dma_wait3A_653 = arith.constant 0 : i32
      %dma_wait3A_654 = tpu.memref_slice %arg4[%dma_wait3A_648, %dma_wait3A_652, %dma_wait3A_653] : memref<4096x200x64xf32, #tpu.memory_space<hbm>> -> memref<1x72x64xf32, #tpu.memory_space<hbm>>
      %dma_wait3A_655 = tpu.memref_squeeze %dma_wait3A_654 : memref<1x72x64xf32, #tpu.memory_space<hbm>> -> memref<72x64xf32, #tpu.memory_space<hbm>>
      %dma_wait3A_656 = arith.constant 128 : i32
      %dma_wait3A_657 = arith.constant 0 : i32
      %dma_wait3A_658 = tpu.memref_slice %arg7[%dma_wait3A_656, %dma_wait3A_657] : memref<200x64xf32, #tpu.memory_space<vmem>> -> memref<72x64xf32, #tpu.memory_space<vmem>>
      %dma_wait3A_659 = arith.constant 128 : i32
      %dma_wait3A_660 = arith.constant 0 : i32
      %dma_wait3A_661 = tpu.memref_slice %arg4[%dma_wait3A_648, %dma_wait3A_659, %dma_wait3A_660] : memref<4096x200x64xf32, #tpu.memory_space<hbm>> -> memref<1x72x64xf32, #tpu.memory_space<hbm>>
      %dma_wait3A_662 = tpu.memref_squeeze %dma_wait3A_661 : memref<1x72x64xf32, #tpu.memory_space<hbm>> -> memref<72x64xf32, #tpu.memory_space<hbm>>
      tpu.wait_dma2 semaphore(%arg11 : memref<!tpu.dma_semaphore, #tpu.memory_space<semaphore_mem>>) src(%dma_wait3A_662 : memref<72x64xf32, #tpu.memory_space<hbm>>) dst(%dma_wait3A_658 : memref<72x64xf32, #tpu.memory_space<vmem>>)
      %add3A_663 = arith.addi %mul3A_2, %add3A_632 : i32
      %dma_start3A_664 = arith.constant 0 : i32
      %dma_start3A_665 = arith.constant 0 : i32
      %dma_start3A_666 = tpu.memref_slice %arg4[%add3A_663, %dma_start3A_664, %dma_start3A_665] : memref<4096x200x64xf32, #tpu.memory_space<hbm>> -> memref<1x200x64xf32, #tpu.memory_space<hbm>>
      %dma_start3A_667 = tpu.memref_squeeze %dma_start3A_666 : memref<1x200x64xf32, #tpu.memory_space<hbm>> -> memref<200x64xf32, #tpu.memory_space<hbm>>
      %dma_start3A_668 = arith.constant 0 : i32
      %dma_start3A_669 = arith.constant 0 : i32
      %dma_start3A_670 = tpu.memref_slice %arg4[%add3A_663, %dma_start3A_668, %dma_start3A_669] : memref<4096x200x64xf32, #tpu.memory_space<hbm>> -> memref<1x200x64xf32, #tpu.memory_space<hbm>>
      %dma_start3A_671 = tpu.memref_squeeze %dma_start3A_670 : memref<1x200x64xf32, #tpu.memory_space<hbm>> -> memref<200x64xf32, #tpu.memory_space<hbm>>
      tpu.enqueue_dma source(%arg7 : memref<200x64xf32, #tpu.memory_space<vmem>>) target(%dma_start3A_671 : memref<200x64xf32, #tpu.memory_space<hbm>>) target_semaphore(%arg15 : memref<!tpu.dma_semaphore, #tpu.memory_space<semaphore_mem>>)
      %dma_wait3A_672 = arith.constant 0 : i32
      %dma_wait3A_673 = arith.constant 0 : i32
      %dma_wait3A_674 = arith.constant 0 : i32
      %dma_wait3A_675 = tpu.memref_slice %arg4[%dma_wait3A_672, %dma_wait3A_673, %dma_wait3A_674] : memref<4096x200x64xf32, #tpu.memory_space<hbm>> -> memref<1x200x64xf32, #tpu.memory_space<hbm>>
      %dma_wait3A_676 = tpu.memref_squeeze %dma_wait3A_675 : memref<1x200x64xf32, #tpu.memory_space<hbm>> -> memref<200x64xf32, #tpu.memory_space<hbm>>
      %dma_wait3A_677 = arith.constant 0 : i32
      %dma_wait3A_678 = arith.constant 0 : i32
      %dma_wait3A_679 = tpu.memref_slice %arg4[%dma_wait3A_672, %dma_wait3A_677, %dma_wait3A_678] : memref<4096x200x64xf32, #tpu.memory_space<hbm>> -> memref<1x200x64xf32, #tpu.memory_space<hbm>>
      %dma_wait3A_680 = tpu.memref_squeeze %dma_wait3A_679 : memref<1x200x64xf32, #tpu.memory_space<hbm>> -> memref<200x64xf32, #tpu.memory_space<hbm>>
      tpu.wait_dma2 semaphore(%arg17 : memref<!tpu.dma_semaphore, #tpu.memory_space<semaphore_mem>>) src(%arg9 : memref<200x64xf32, #tpu.memory_space<vmem>>) dst(%dma_wait3A_680 : memref<200x64xf32, #tpu.memory_space<hbm>>)
      %add3A_681 = arith.constant 2 : i32
      %add3A_682 = arith.addi %add3A_632, %add3A_681 : i32
      %dma_start3A_683 = arith.constant 0 : i32
      %dma_start3A_684 = arith.constant 0 : i32
      %dma_start3A_685 = tpu.memref_slice %arg9[%dma_start3A_683, %dma_start3A_684] : memref<200x64xf32, #tpu.memory_space<vmem>> -> memref<128x64xf32, #tpu.memory_space<vmem>>
      %dma_start3A_686 = arith.constant 0 : i32
      %dma_start3A_687 = tpu.memref_slice %arg5[%add3A_682, %dma_start3A_686] : memref<128x200xi32, #tpu.memory_space<vmem>> -> memref<1x128xi32, #tpu.memory_space<vmem>>
      %dma_start3A_688 = tpu.memref_squeeze %dma_start3A_687 : memref<1x128xi32, #tpu.memory_space<vmem>> -> memref<128xi32, #tpu.memory_space<vmem>>
      %dma_start3A_689 = arith.constant 0 : i32
      %dma_start3A_690 = arith.constant 0 : i32
      %dma_start3A_691 = tpu.memref_slice %arg3[%dma_start3A_689, %dma_start3A_690] : memref<1000000x64xf32, #tpu.memory_space<hbm>> -> memref<1000000x64xf32, #tpu.memory_space<hbm>>
      tpu.enqueue_indirect_dma source(%dma_start3A_691 : memref<1000000x64xf32, #tpu.memory_space<hbm>>) target(%dma_start3A_685 : memref<128x64xf32, #tpu.memory_space<vmem>>) offsets(%dma_start3A_688 : memref<128xi32, #tpu.memory_space<vmem>>) semaphore(%arg13 : memref<!tpu.dma_semaphore, #tpu.memory_space<semaphore_mem>>)
      %dma_start3A_692 = arith.constant 128 : i32
      %dma_start3A_693 = arith.constant 0 : i32
      %dma_start3A_694 = tpu.memref_slice %arg9[%dma_start3A_692, %dma_start3A_693] : memref<200x64xf32, #tpu.memory_space<vmem>> -> memref<72x64xf32, #tpu.memory_space<vmem>>
      %dma_start3A_695 = arith.constant 128 : i32
      %dma_start3A_696 = tpu.memref_slice %arg5[%add3A_682, %dma_start3A_695] : memref<128x200xi32, #tpu.memory_space<vmem>> -> memref<1x72xi32, #tpu.memory_space<vmem>>
      %dma_start3A_697 = tpu.memref_squeeze %dma_start3A_696 : memref<1x72xi32, #tpu.memory_space<vmem>> -> memref<72xi32, #tpu.memory_space<vmem>>
      %dma_start3A_698 = arith.constant 0 : i32
      %dma_start3A_699 = arith.constant 0 : i32
      %dma_start3A_700 = tpu.memref_slice %arg3[%dma_start3A_698, %dma_start3A_699] : memref<1000000x64xf32, #tpu.memory_space<hbm>> -> memref<1000000x64xf32, #tpu.memory_space<hbm>>
      tpu.enqueue_indirect_dma source(%dma_start3A_700 : memref<1000000x64xf32, #tpu.memory_space<hbm>>) target(%dma_start3A_694 : memref<72x64xf32, #tpu.memory_space<vmem>>) offsets(%dma_start3A_697 : memref<72xi32, #tpu.memory_space<vmem>>) semaphore(%arg13 : memref<!tpu.dma_semaphore, #tpu.memory_space<semaphore_mem>>)
      %add3A_701 = arith.constant 2 : i32
      %add3A_702 = arith.addi %mul3A_560, %add3A_701 : i32
      %dma_wait3A_703 = arith.constant 0 : i32
      %dma_wait3A_704 = arith.constant 0 : i32
      %dma_wait3A_705 = arith.constant 0 : i32
      %dma_wait3A_706 = tpu.memref_slice %arg8[%dma_wait3A_704, %dma_wait3A_705] : memref<200x64xf32, #tpu.memory_space<vmem>> -> memref<128x64xf32, #tpu.memory_space<vmem>>
      %dma_wait3A_707 = arith.constant 0 : i32
      %dma_wait3A_708 = arith.constant 0 : i32
      %dma_wait3A_709 = tpu.memref_slice %arg4[%dma_wait3A_703, %dma_wait3A_707, %dma_wait3A_708] : memref<4096x200x64xf32, #tpu.memory_space<hbm>> -> memref<1x128x64xf32, #tpu.memory_space<hbm>>
      %dma_wait3A_710 = tpu.memref_squeeze %dma_wait3A_709 : memref<1x128x64xf32, #tpu.memory_space<hbm>> -> memref<128x64xf32, #tpu.memory_space<hbm>>
      %dma_wait3A_711 = arith.constant 0 : i32
      %dma_wait3A_712 = arith.constant 0 : i32
      %dma_wait3A_713 = tpu.memref_slice %arg8[%dma_wait3A_711, %dma_wait3A_712] : memref<200x64xf32, #tpu.memory_space<vmem>> -> memref<128x64xf32, #tpu.memory_space<vmem>>
      %dma_wait3A_714 = arith.constant 0 : i32
      %dma_wait3A_715 = arith.constant 0 : i32
      %dma_wait3A_716 = tpu.memref_slice %arg4[%dma_wait3A_703, %dma_wait3A_714, %dma_wait3A_715] : memref<4096x200x64xf32, #tpu.memory_space<hbm>> -> memref<1x128x64xf32, #tpu.memory_space<hbm>>
      %dma_wait3A_717 = tpu.memref_squeeze %dma_wait3A_716 : memref<1x128x64xf32, #tpu.memory_space<hbm>> -> memref<128x64xf32, #tpu.memory_space<hbm>>
      tpu.wait_dma2 semaphore(%arg12 : memref<!tpu.dma_semaphore, #tpu.memory_space<semaphore_mem>>) src(%dma_wait3A_717 : memref<128x64xf32, #tpu.memory_space<hbm>>) dst(%dma_wait3A_713 : memref<128x64xf32, #tpu.memory_space<vmem>>)
      %dma_wait3A_718 = arith.constant 0 : i32
      %dma_wait3A_719 = arith.constant 128 : i32
      %dma_wait3A_720 = arith.constant 0 : i32
      %dma_wait3A_721 = tpu.memref_slice %arg8[%dma_wait3A_719, %dma_wait3A_720] : memref<200x64xf32, #tpu.memory_space<vmem>> -> memref<72x64xf32, #tpu.memory_space<vmem>>
      %dma_wait3A_722 = arith.constant 128 : i32
      %dma_wait3A_723 = arith.constant 0 : i32
      %dma_wait3A_724 = tpu.memref_slice %arg4[%dma_wait3A_718, %dma_wait3A_722, %dma_wait3A_723] : memref<4096x200x64xf32, #tpu.memory_space<hbm>> -> memref<1x72x64xf32, #tpu.memory_space<hbm>>
      %dma_wait3A_725 = tpu.memref_squeeze %dma_wait3A_724 : memref<1x72x64xf32, #tpu.memory_space<hbm>> -> memref<72x64xf32, #tpu.memory_space<hbm>>
      %dma_wait3A_726 = arith.constant 128 : i32
      %dma_wait3A_727 = arith.constant 0 : i32
      %dma_wait3A_728 = tpu.memref_slice %arg8[%dma_wait3A_726, %dma_wait3A_727] : memref<200x64xf32, #tpu.memory_space<vmem>> -> memref<72x64xf32, #tpu.memory_space<vmem>>
      %dma_wait3A_729 = arith.constant 128 : i32
      %dma_wait3A_730 = arith.constant 0 : i32
      %dma_wait3A_731 = tpu.memref_slice %arg4[%dma_wait3A_718, %dma_wait3A_729, %dma_wait3A_730] : memref<4096x200x64xf32, #tpu.memory_space<hbm>> -> memref<1x72x64xf32, #tpu.memory_space<hbm>>
      %dma_wait3A_732 = tpu.memref_squeeze %dma_wait3A_731 : memref<1x72x64xf32, #tpu.memory_space<hbm>> -> memref<72x64xf32, #tpu.memory_space<hbm>>
      tpu.wait_dma2 semaphore(%arg12 : memref<!tpu.dma_semaphore, #tpu.memory_space<semaphore_mem>>) src(%dma_wait3A_732 : memref<72x64xf32, #tpu.memory_space<hbm>>) dst(%dma_wait3A_728 : memref<72x64xf32, #tpu.memory_space<vmem>>)
      %add3A_733 = arith.addi %mul3A_2, %add3A_702 : i32
      %dma_start3A_734 = arith.constant 0 : i32
      %dma_start3A_735 = arith.constant 0 : i32
      %dma_start3A_736 = tpu.memref_slice %arg4[%add3A_733, %dma_start3A_734, %dma_start3A_735] : memref<4096x200x64xf32, #tpu.memory_space<hbm>> -> memref<1x200x64xf32, #tpu.memory_space<hbm>>
      %dma_start3A_737 = tpu.memref_squeeze %dma_start3A_736 : memref<1x200x64xf32, #tpu.memory_space<hbm>> -> memref<200x64xf32, #tpu.memory_space<hbm>>
      %dma_start3A_738 = arith.constant 0 : i32
      %dma_start3A_739 = arith.constant 0 : i32
      %dma_start3A_740 = tpu.memref_slice %arg4[%add3A_733, %dma_start3A_738, %dma_start3A_739] : memref<4096x200x64xf32, #tpu.memory_space<hbm>> -> memref<1x200x64xf32, #tpu.memory_space<hbm>>
      %dma_start3A_741 = tpu.memref_squeeze %dma_start3A_740 : memref<1x200x64xf32, #tpu.memory_space<hbm>> -> memref<200x64xf32, #tpu.memory_space<hbm>>
      tpu.enqueue_dma source(%arg8 : memref<200x64xf32, #tpu.memory_space<vmem>>) target(%dma_start3A_741 : memref<200x64xf32, #tpu.memory_space<hbm>>) target_semaphore(%arg16 : memref<!tpu.dma_semaphore, #tpu.memory_space<semaphore_mem>>)
      %dma_wait3A_742 = arith.constant 0 : i32
      %dma_wait3A_743 = arith.constant 0 : i32
      %dma_wait3A_744 = arith.constant 0 : i32
      %dma_wait3A_745 = tpu.memref_slice %arg4[%dma_wait3A_742, %dma_wait3A_743, %dma_wait3A_744] : memref<4096x200x64xf32, #tpu.memory_space<hbm>> -> memref<1x200x64xf32, #tpu.memory_space<hbm>>
      %dma_wait3A_746 = tpu.memref_squeeze %dma_wait3A_745 : memref<1x200x64xf32, #tpu.memory_space<hbm>> -> memref<200x64xf32, #tpu.memory_space<hbm>>
      %dma_wait3A_747 = arith.constant 0 : i32
      %dma_wait3A_748 = arith.constant 0 : i32
      %dma_wait3A_749 = tpu.memref_slice %arg4[%dma_wait3A_742, %dma_wait3A_747, %dma_wait3A_748] : memref<4096x200x64xf32, #tpu.memory_space<hbm>> -> memref<1x200x64xf32, #tpu.memory_space<hbm>>
      %dma_wait3A_750 = tpu.memref_squeeze %dma_wait3A_749 : memref<1x200x64xf32, #tpu.memory_space<hbm>> -> memref<200x64xf32, #tpu.memory_space<hbm>>
      tpu.wait_dma2 semaphore(%arg14 : memref<!tpu.dma_semaphore, #tpu.memory_space<semaphore_mem>>) src(%arg6 : memref<200x64xf32, #tpu.memory_space<vmem>>) dst(%dma_wait3A_750 : memref<200x64xf32, #tpu.memory_space<hbm>>)
      %add3A_751 = arith.constant 2 : i32
      %add3A_752 = arith.addi %add3A_702, %add3A_751 : i32
      %dma_start3A_753 = arith.constant 0 : i32
      %dma_start3A_754 = arith.constant 0 : i32
      %dma_start3A_755 = tpu.memref_slice %arg6[%dma_start3A_753, %dma_start3A_754] : memref<200x64xf32, #tpu.memory_space<vmem>> -> memref<128x64xf32, #tpu.memory_space<vmem>>
      %dma_start3A_756 = arith.constant 0 : i32
      %dma_start3A_757 = tpu.memref_slice %arg5[%add3A_752, %dma_start3A_756] : memref<128x200xi32, #tpu.memory_space<vmem>> -> memref<1x128xi32, #tpu.memory_space<vmem>>
      %dma_start3A_758 = tpu.memref_squeeze %dma_start3A_757 : memref<1x128xi32, #tpu.memory_space<vmem>> -> memref<128xi32, #tpu.memory_space<vmem>>
      %dma_start3A_759 = arith.constant 0 : i32
      %dma_start3A_760 = arith.constant 0 : i32
      %dma_start3A_761 = tpu.memref_slice %arg3[%dma_start3A_759, %dma_start3A_760] : memref<1000000x64xf32, #tpu.memory_space<hbm>> -> memref<1000000x64xf32, #tpu.memory_space<hbm>>
      tpu.enqueue_indirect_dma source(%dma_start3A_761 : memref<1000000x64xf32, #tpu.memory_space<hbm>>) target(%dma_start3A_755 : memref<128x64xf32, #tpu.memory_space<vmem>>) offsets(%dma_start3A_758 : memref<128xi32, #tpu.memory_space<vmem>>) semaphore(%arg10 : memref<!tpu.dma_semaphore, #tpu.memory_space<semaphore_mem>>)
      %dma_start3A_762 = arith.constant 128 : i32
      %dma_start3A_763 = arith.constant 0 : i32
      %dma_start3A_764 = tpu.memref_slice %arg6[%dma_start3A_762, %dma_start3A_763] : memref<200x64xf32, #tpu.memory_space<vmem>> -> memref<72x64xf32, #tpu.memory_space<vmem>>
      %dma_start3A_765 = arith.constant 128 : i32
      %dma_start3A_766 = tpu.memref_slice %arg5[%add3A_752, %dma_start3A_765] : memref<128x200xi32, #tpu.memory_space<vmem>> -> memref<1x72xi32, #tpu.memory_space<vmem>>
      %dma_start3A_767 = tpu.memref_squeeze %dma_start3A_766 : memref<1x72xi32, #tpu.memory_space<vmem>> -> memref<72xi32, #tpu.memory_space<vmem>>
      %dma_start3A_768 = arith.constant 0 : i32
      %dma_start3A_769 = arith.constant 0 : i32
      %dma_start3A_770 = tpu.memref_slice %arg3[%dma_start3A_768, %dma_start3A_769] : memref<1000000x64xf32, #tpu.memory_space<hbm>> -> memref<1000000x64xf32, #tpu.memory_space<hbm>>
      tpu.enqueue_indirect_dma source(%dma_start3A_770 : memref<1000000x64xf32, #tpu.memory_space<hbm>>) target(%dma_start3A_764 : memref<72x64xf32, #tpu.memory_space<vmem>>) offsets(%dma_start3A_767 : memref<72xi32, #tpu.memory_space<vmem>>) semaphore(%arg10 : memref<!tpu.dma_semaphore, #tpu.memory_space<semaphore_mem>>)
      %add3A_771 = arith.constant 3 : i32
      %add3A_772 = arith.addi %mul3A_560, %add3A_771 : i32
      %dma_wait3A_773 = arith.constant 0 : i32
      %dma_wait3A_774 = arith.constant 0 : i32
      %dma_wait3A_775 = arith.constant 0 : i32
      %dma_wait3A_776 = tpu.memref_slice %arg9[%dma_wait3A_774, %dma_wait3A_775] : memref<200x64xf32, #tpu.memory_space<vmem>> -> memref<128x64xf32, #tpu.memory_space<vmem>>
      %dma_wait3A_777 = arith.constant 0 : i32
      %dma_wait3A_778 = arith.constant 0 : i32
      %dma_wait3A_779 = tpu.memref_slice %arg4[%dma_wait3A_773, %dma_wait3A_777, %dma_wait3A_778] : memref<4096x200x64xf32, #tpu.memory_space<hbm>> -> memref<1x128x64xf32, #tpu.memory_space<hbm>>
      %dma_wait3A_780 = tpu.memref_squeeze %dma_wait3A_779 : memref<1x128x64xf32, #tpu.memory_space<hbm>> -> memref<128x64xf32, #tpu.memory_space<hbm>>
      %dma_wait3A_781 = arith.constant 0 : i32
      %dma_wait3A_782 = arith.constant 0 : i32
      %dma_wait3A_783 = tpu.memref_slice %arg9[%dma_wait3A_781, %dma_wait3A_782] : memref<200x64xf32, #tpu.memory_space<vmem>> -> memref<128x64xf32, #tpu.memory_space<vmem>>
      %dma_wait3A_784 = arith.constant 0 : i32
      %dma_wait3A_785 = arith.constant 0 : i32
      %dma_wait3A_786 = tpu.memref_slice %arg4[%dma_wait3A_773, %dma_wait3A_784, %dma_wait3A_785] : memref<4096x200x64xf32, #tpu.memory_space<hbm>> -> memref<1x128x64xf32, #tpu.memory_space<hbm>>
      %dma_wait3A_787 = tpu.memref_squeeze %dma_wait3A_786 : memref<1x128x64xf32, #tpu.memory_space<hbm>> -> memref<128x64xf32, #tpu.memory_space<hbm>>
      tpu.wait_dma2 semaphore(%arg13 : memref<!tpu.dma_semaphore, #tpu.memory_space<semaphore_mem>>) src(%dma_wait3A_787 : memref<128x64xf32, #tpu.memory_space<hbm>>) dst(%dma_wait3A_783 : memref<128x64xf32, #tpu.memory_space<vmem>>)
      %dma_wait3A_788 = arith.constant 0 : i32
      %dma_wait3A_789 = arith.constant 128 : i32
      %dma_wait3A_790 = arith.constant 0 : i32
      %dma_wait3A_791 = tpu.memref_slice %arg9[%dma_wait3A_789, %dma_wait3A_790] : memref<200x64xf32, #tpu.memory_space<vmem>> -> memref<72x64xf32, #tpu.memory_space<vmem>>
      %dma_wait3A_792 = arith.constant 128 : i32
      %dma_wait3A_793 = arith.constant 0 : i32
      %dma_wait3A_794 = tpu.memref_slice %arg4[%dma_wait3A_788, %dma_wait3A_792, %dma_wait3A_793] : memref<4096x200x64xf32, #tpu.memory_space<hbm>> -> memref<1x72x64xf32, #tpu.memory_space<hbm>>
      %dma_wait3A_795 = tpu.memref_squeeze %dma_wait3A_794 : memref<1x72x64xf32, #tpu.memory_space<hbm>> -> memref<72x64xf32, #tpu.memory_space<hbm>>
      %dma_wait3A_796 = arith.constant 128 : i32
      %dma_wait3A_797 = arith.constant 0 : i32
      %dma_wait3A_798 = tpu.memref_slice %arg9[%dma_wait3A_796, %dma_wait3A_797] : memref<200x64xf32, #tpu.memory_space<vmem>> -> memref<72x64xf32, #tpu.memory_space<vmem>>
      %dma_wait3A_799 = arith.constant 128 : i32
      %dma_wait3A_800 = arith.constant 0 : i32
      %dma_wait3A_801 = tpu.memref_slice %arg4[%dma_wait3A_788, %dma_wait3A_799, %dma_wait3A_800] : memref<4096x200x64xf32, #tpu.memory_space<hbm>> -> memref<1x72x64xf32, #tpu.memory_space<hbm>>
      %dma_wait3A_802 = tpu.memref_squeeze %dma_wait3A_801 : memref<1x72x64xf32, #tpu.memory_space<hbm>> -> memref<72x64xf32, #tpu.memory_space<hbm>>
      tpu.wait_dma2 semaphore(%arg13 : memref<!tpu.dma_semaphore, #tpu.memory_space<semaphore_mem>>) src(%dma_wait3A_802 : memref<72x64xf32, #tpu.memory_space<hbm>>) dst(%dma_wait3A_798 : memref<72x64xf32, #tpu.memory_space<vmem>>)
      %add3A_803 = arith.addi %mul3A_2, %add3A_772 : i32
      %dma_start3A_804 = arith.constant 0 : i32
      %dma_start3A_805 = arith.constant 0 : i32
      %dma_start3A_806 = tpu.memref_slice %arg4[%add3A_803, %dma_start3A_804, %dma_start3A_805] : memref<4096x200x64xf32, #tpu.memory_space<hbm>> -> memref<1x200x64xf32, #tpu.memory_space<hbm>>
      %dma_start3A_807 = tpu.memref_squeeze %dma_start3A_806 : memref<1x200x64xf32, #tpu.memory_space<hbm>> -> memref<200x64xf32, #tpu.memory_space<hbm>>
      %dma_start3A_808 = arith.constant 0 : i32
      %dma_start3A_809 = arith.constant 0 : i32
      %dma_start3A_810 = tpu.memref_slice %arg4[%add3A_803, %dma_start3A_808, %dma_start3A_809] : memref<4096x200x64xf32, #tpu.memory_space<hbm>> -> memref<1x200x64xf32, #tpu.memory_space<hbm>>
      %dma_start3A_811 = tpu.memref_squeeze %dma_start3A_810 : memref<1x200x64xf32, #tpu.memory_space<hbm>> -> memref<200x64xf32, #tpu.memory_space<hbm>>
      tpu.enqueue_dma source(%arg9 : memref<200x64xf32, #tpu.memory_space<vmem>>) target(%dma_start3A_811 : memref<200x64xf32, #tpu.memory_space<hbm>>) target_semaphore(%arg17 : memref<!tpu.dma_semaphore, #tpu.memory_space<semaphore_mem>>)
      %dma_wait3A_812 = arith.constant 0 : i32
      %dma_wait3A_813 = arith.constant 0 : i32
      %dma_wait3A_814 = arith.constant 0 : i32
      %dma_wait3A_815 = tpu.memref_slice %arg4[%dma_wait3A_812, %dma_wait3A_813, %dma_wait3A_814] : memref<4096x200x64xf32, #tpu.memory_space<hbm>> -> memref<1x200x64xf32, #tpu.memory_space<hbm>>
      %dma_wait3A_816 = tpu.memref_squeeze %dma_wait3A_815 : memref<1x200x64xf32, #tpu.memory_space<hbm>> -> memref<200x64xf32, #tpu.memory_space<hbm>>
      %dma_wait3A_817 = arith.constant 0 : i32
      %dma_wait3A_818 = arith.constant 0 : i32
      %dma_wait3A_819 = tpu.memref_slice %arg4[%dma_wait3A_812, %dma_wait3A_817, %dma_wait3A_818] : memref<4096x200x64xf32, #tpu.memory_space<hbm>> -> memref<1x200x64xf32, #tpu.memory_space<hbm>>
      %dma_wait3A_820 = tpu.memref_squeeze %dma_wait3A_819 : memref<1x200x64xf32, #tpu.memory_space<hbm>> -> memref<200x64xf32, #tpu.memory_space<hbm>>
      tpu.wait_dma2 semaphore(%arg15 : memref<!tpu.dma_semaphore, #tpu.memory_space<semaphore_mem>>) src(%arg7 : memref<200x64xf32, #tpu.memory_space<vmem>>) dst(%dma_wait3A_820 : memref<200x64xf32, #tpu.memory_space<hbm>>)
      %add3A_821 = arith.constant 2 : i32
      %add3A_822 = arith.addi %add3A_772, %add3A_821 : i32
      %dma_start3A_823 = arith.constant 0 : i32
      %dma_start3A_824 = arith.constant 0 : i32
      %dma_start3A_825 = tpu.memref_slice %arg7[%dma_start3A_823, %dma_start3A_824] : memref<200x64xf32, #tpu.memory_space<vmem>> -> memref<128x64xf32, #tpu.memory_space<vmem>>
      %dma_start3A_826 = arith.constant 0 : i32
      %dma_start3A_827 = tpu.memref_slice %arg5[%add3A_822, %dma_start3A_826] : memref<128x200xi32, #tpu.memory_space<vmem>> -> memref<1x128xi32, #tpu.memory_space<vmem>>
      %dma_start3A_828 = tpu.memref_squeeze %dma_start3A_827 : memref<1x128xi32, #tpu.memory_space<vmem>> -> memref<128xi32, #tpu.memory_space<vmem>>
      %dma_start3A_829 = arith.constant 0 : i32
      %dma_start3A_830 = arith.constant 0 : i32
      %dma_start3A_831 = tpu.memref_slice %arg3[%dma_start3A_829, %dma_start3A_830] : memref<1000000x64xf32, #tpu.memory_space<hbm>> -> memref<1000000x64xf32, #tpu.memory_space<hbm>>
      tpu.enqueue_indirect_dma source(%dma_start3A_831 : memref<1000000x64xf32, #tpu.memory_space<hbm>>) target(%dma_start3A_825 : memref<128x64xf32, #tpu.memory_space<vmem>>) offsets(%dma_start3A_828 : memref<128xi32, #tpu.memory_space<vmem>>) semaphore(%arg11 : memref<!tpu.dma_semaphore, #tpu.memory_space<semaphore_mem>>)
      %dma_start3A_832 = arith.constant 128 : i32
      %dma_start3A_833 = arith.constant 0 : i32
      %dma_start3A_834 = tpu.memref_slice %arg7[%dma_start3A_832, %dma_start3A_833] : memref<200x64xf32, #tpu.memory_space<vmem>> -> memref<72x64xf32, #tpu.memory_space<vmem>>
      %dma_start3A_835 = arith.constant 128 : i32
      %dma_start3A_836 = tpu.memref_slice %arg5[%add3A_822, %dma_start3A_835] : memref<128x200xi32, #tpu.memory_space<vmem>> -> memref<1x72xi32, #tpu.memory_space<vmem>>
      %dma_start3A_837 = tpu.memref_squeeze %dma_start3A_836 : memref<1x72xi32, #tpu.memory_space<vmem>> -> memref<72xi32, #tpu.memory_space<vmem>>
      %dma_start3A_838 = arith.constant 0 : i32
      %dma_start3A_839 = arith.constant 0 : i32
      %dma_start3A_840 = tpu.memref_slice %arg3[%dma_start3A_838, %dma_start3A_839] : memref<1000000x64xf32, #tpu.memory_space<hbm>> -> memref<1000000x64xf32, #tpu.memory_space<hbm>>
      tpu.enqueue_indirect_dma source(%dma_start3A_840 : memref<1000000x64xf32, #tpu.memory_space<hbm>>) target(%dma_start3A_834 : memref<72x64xf32, #tpu.memory_space<vmem>>) offsets(%dma_start3A_837 : memref<72xi32, #tpu.memory_space<vmem>>) semaphore(%arg11 : memref<!tpu.dma_semaphore, #tpu.memory_space<semaphore_mem>>)
    }
    %scan3A_303 = arith.constant 30 : i32
    %dma_wait3A_304 = arith.constant 0 : i32
    %dma_wait3A_305 = arith.constant 0 : i32
    %dma_wait3A_306 = arith.constant 0 : i32
    %dma_wait3A_307 = tpu.memref_slice %arg6[%dma_wait3A_305, %dma_wait3A_306] : memref<200x64xf32, #tpu.memory_space<vmem>> -> memref<128x64xf32, #tpu.memory_space<vmem>>
    %dma_wait3A_308 = arith.constant 0 : i32
    %dma_wait3A_309 = arith.constant 0 : i32
    %dma_wait3A_310 = tpu.memref_slice %arg4[%dma_wait3A_304, %dma_wait3A_308, %dma_wait3A_309] : memref<4096x200x64xf32, #tpu.memory_space<hbm>> -> memref<1x128x64xf32, #tpu.memory_space<hbm>>
    %dma_wait3A_311 = tpu.memref_squeeze %dma_wait3A_310 : memref<1x128x64xf32, #tpu.memory_space<hbm>> -> memref<128x64xf32, #tpu.memory_space<hbm>>
    %dma_wait3A_312 = arith.constant 0 : i32
    %dma_wait3A_313 = arith.constant 0 : i32
    %dma_wait3A_314 = tpu.memref_slice %arg6[%dma_wait3A_312, %dma_wait3A_313] : memref<200x64xf32, #tpu.memory_space<vmem>> -> memref<128x64xf32, #tpu.memory_space<vmem>>
    %dma_wait3A_315 = arith.constant 0 : i32
    %dma_wait3A_316 = arith.constant 0 : i32
    %dma_wait3A_317 = tpu.memref_slice %arg4[%dma_wait3A_304, %dma_wait3A_315, %dma_wait3A_316] : memref<4096x200x64xf32, #tpu.memory_space<hbm>> -> memref<1x128x64xf32, #tpu.memory_space<hbm>>
    %dma_wait3A_318 = tpu.memref_squeeze %dma_wait3A_317 : memref<1x128x64xf32, #tpu.memory_space<hbm>> -> memref<128x64xf32, #tpu.memory_space<hbm>>
    tpu.wait_dma2 semaphore(%arg10 : memref<!tpu.dma_semaphore, #tpu.memory_space<semaphore_mem>>) src(%dma_wait3A_318 : memref<128x64xf32, #tpu.memory_space<hbm>>) dst(%dma_wait3A_314 : memref<128x64xf32, #tpu.memory_space<vmem>>)
    %dma_wait3A_319 = arith.constant 0 : i32
    %dma_wait3A_320 = arith.constant 128 : i32
    %dma_wait3A_321 = arith.constant 0 : i32
    %dma_wait3A_322 = tpu.memref_slice %arg6[%dma_wait3A_320, %dma_wait3A_321] : memref<200x64xf32, #tpu.memory_space<vmem>> -> memref<72x64xf32, #tpu.memory_space<vmem>>
    %dma_wait3A_323 = arith.constant 128 : i32
    %dma_wait3A_324 = arith.constant 0 : i32
    %dma_wait3A_325 = tpu.memref_slice %arg4[%dma_wait3A_319, %dma_wait3A_323, %dma_wait3A_324] : memref<4096x200x64xf32, #tpu.memory_space<hbm>> -> memref<1x72x64xf32, #tpu.memory_space<hbm>>
    %dma_wait3A_326 = tpu.memref_squeeze %dma_wait3A_325 : memref<1x72x64xf32, #tpu.memory_space<hbm>> -> memref<72x64xf32, #tpu.memory_space<hbm>>
    %dma_wait3A_327 = arith.constant 128 : i32
    %dma_wait3A_328 = arith.constant 0 : i32
    %dma_wait3A_329 = tpu.memref_slice %arg6[%dma_wait3A_327, %dma_wait3A_328] : memref<200x64xf32, #tpu.memory_space<vmem>> -> memref<72x64xf32, #tpu.memory_space<vmem>>
    %dma_wait3A_330 = arith.constant 128 : i32
    %dma_wait3A_331 = arith.constant 0 : i32
    %dma_wait3A_332 = tpu.memref_slice %arg4[%dma_wait3A_319, %dma_wait3A_330, %dma_wait3A_331] : memref<4096x200x64xf32, #tpu.memory_space<hbm>> -> memref<1x72x64xf32, #tpu.memory_space<hbm>>
    %dma_wait3A_333 = tpu.memref_squeeze %dma_wait3A_332 : memref<1x72x64xf32, #tpu.memory_space<hbm>> -> memref<72x64xf32, #tpu.memory_space<hbm>>
    tpu.wait_dma2 semaphore(%arg10 : memref<!tpu.dma_semaphore, #tpu.memory_space<semaphore_mem>>) src(%dma_wait3A_333 : memref<72x64xf32, #tpu.memory_space<hbm>>) dst(%dma_wait3A_329 : memref<72x64xf32, #tpu.memory_space<vmem>>)
    %add3A_334 = arith.constant 124 : i32
    %add3A_335 = arith.addi %mul3A_2, %add3A_334 : i32
    %dma_start3A_336 = arith.constant 0 : i32
    %dma_start3A_337 = arith.constant 0 : i32
    %dma_start3A_338 = tpu.memref_slice %arg4[%add3A_335, %dma_start3A_336, %dma_start3A_337] : memref<4096x200x64xf32, #tpu.memory_space<hbm>> -> memref<1x200x64xf32, #tpu.memory_space<hbm>>
    %dma_start3A_339 = tpu.memref_squeeze %dma_start3A_338 : memref<1x200x64xf32, #tpu.memory_space<hbm>> -> memref<200x64xf32, #tpu.memory_space<hbm>>
    %dma_start3A_340 = arith.constant 0 : i32
    %dma_start3A_341 = arith.constant 0 : i32
    %dma_start3A_342 = tpu.memref_slice %arg4[%add3A_335, %dma_start3A_340, %dma_start3A_341] : memref<4096x200x64xf32, #tpu.memory_space<hbm>> -> memref<1x200x64xf32, #tpu.memory_space<hbm>>
    %dma_start3A_343 = tpu.memref_squeeze %dma_start3A_342 : memref<1x200x64xf32, #tpu.memory_space<hbm>> -> memref<200x64xf32, #tpu.memory_space<hbm>>
    tpu.enqueue_dma source(%arg6 : memref<200x64xf32, #tpu.memory_space<vmem>>) target(%dma_start3A_343 : memref<200x64xf32, #tpu.memory_space<hbm>>) target_semaphore(%arg14 : memref<!tpu.dma_semaphore, #tpu.memory_space<semaphore_mem>>)
    %dma_wait3A_344 = arith.constant 0 : i32
    %dma_wait3A_345 = arith.constant 0 : i32
    %dma_wait3A_346 = arith.constant 0 : i32
    %dma_wait3A_347 = tpu.memref_slice %arg4[%dma_wait3A_344, %dma_wait3A_345, %dma_wait3A_346] : memref<4096x200x64xf32, #tpu.memory_space<hbm>> -> memref<1x200x64xf32, #tpu.memory_space<hbm>>
    %dma_wait3A_348 = tpu.memref_squeeze %dma_wait3A_347 : memref<1x200x64xf32, #tpu.memory_space<hbm>> -> memref<200x64xf32, #tpu.memory_space<hbm>>
    %dma_wait3A_349 = arith.constant 0 : i32
    %dma_wait3A_350 = arith.constant 0 : i32
    %dma_wait3A_351 = tpu.memref_slice %arg4[%dma_wait3A_344, %dma_wait3A_349, %dma_wait3A_350] : memref<4096x200x64xf32, #tpu.memory_space<hbm>> -> memref<1x200x64xf32, #tpu.memory_space<hbm>>
    %dma_wait3A_352 = tpu.memref_squeeze %dma_wait3A_351 : memref<1x200x64xf32, #tpu.memory_space<hbm>> -> memref<200x64xf32, #tpu.memory_space<hbm>>
    tpu.wait_dma2 semaphore(%arg16 : memref<!tpu.dma_semaphore, #tpu.memory_space<semaphore_mem>>) src(%arg8 : memref<200x64xf32, #tpu.memory_space<vmem>>) dst(%dma_wait3A_352 : memref<200x64xf32, #tpu.memory_space<hbm>>)
    %dma_start3A_353 = arith.constant 126 : i32
    %dma_start3A_354 = arith.constant 0 : i32
    %dma_start3A_355 = arith.constant 0 : i32
    %dma_start3A_356 = tpu.memref_slice %arg8[%dma_start3A_354, %dma_start3A_355] : memref<200x64xf32, #tpu.memory_space<vmem>> -> memref<128x64xf32, #tpu.memory_space<vmem>>
    %dma_start3A_357 = arith.constant 0 : i32
    %dma_start3A_358 = tpu.memref_slice %arg5[%dma_start3A_353, %dma_start3A_357] : memref<128x200xi32, #tpu.memory_space<vmem>> -> memref<1x128xi32, #tpu.memory_space<vmem>>
    %dma_start3A_359 = tpu.memref_squeeze %dma_start3A_358 : memref<1x128xi32, #tpu.memory_space<vmem>> -> memref<128xi32, #tpu.memory_space<vmem>>
    %dma_start3A_360 = arith.constant 0 : i32
    %dma_start3A_361 = arith.constant 0 : i32
    %dma_start3A_362 = tpu.memref_slice %arg3[%dma_start3A_360, %dma_start3A_361] : memref<1000000x64xf32, #tpu.memory_space<hbm>> -> memref<1000000x64xf32, #tpu.memory_space<hbm>>
    tpu.enqueue_indirect_dma source(%dma_start3A_362 : memref<1000000x64xf32, #tpu.memory_space<hbm>>) target(%dma_start3A_356 : memref<128x64xf32, #tpu.memory_space<vmem>>) offsets(%dma_start3A_359 : memref<128xi32, #tpu.memory_space<vmem>>) semaphore(%arg12 : memref<!tpu.dma_semaphore, #tpu.memory_space<semaphore_mem>>)
    %dma_start3A_363 = arith.constant 126 : i32
    %dma_start3A_364 = arith.constant 128 : i32
    %dma_start3A_365 = arith.constant 0 : i32
    %dma_start3A_366 = tpu.memref_slice %arg8[%dma_start3A_364, %dma_start3A_365] : memref<200x64xf32, #tpu.memory_space<vmem>> -> memref<72x64xf32, #tpu.memory_space<vmem>>
    %dma_start3A_367 = arith.constant 128 : i32
    %dma_start3A_368 = tpu.memref_slice %arg5[%dma_start3A_363, %dma_start3A_367] : memref<128x200xi32, #tpu.memory_space<vmem>> -> memref<1x72xi32, #tpu.memory_space<vmem>>
    %dma_start3A_369 = tpu.memref_squeeze %dma_start3A_368 : memref<1x72xi32, #tpu.memory_space<vmem>> -> memref<72xi32, #tpu.memory_space<vmem>>
    %dma_start3A_370 = arith.constant 0 : i32
    %dma_start3A_371 = arith.constant 0 : i32
    %dma_start3A_372 = tpu.memref_slice %arg3[%dma_start3A_370, %dma_start3A_371] : memref<1000000x64xf32, #tpu.memory_space<hbm>> -> memref<1000000x64xf32, #tpu.memory_space<hbm>>
    tpu.enqueue_indirect_dma source(%dma_start3A_372 : memref<1000000x64xf32, #tpu.memory_space<hbm>>) target(%dma_start3A_366 : memref<72x64xf32, #tpu.memory_space<vmem>>) offsets(%dma_start3A_369 : memref<72xi32, #tpu.memory_space<vmem>>) semaphore(%arg12 : memref<!tpu.dma_semaphore, #tpu.memory_space<semaphore_mem>>)
    %dma_wait3A_373 = arith.constant 0 : i32
    %dma_wait3A_374 = arith.constant 0 : i32
    %dma_wait3A_375 = arith.constant 0 : i32
    %dma_wait3A_376 = tpu.memref_slice %arg7[%dma_wait3A_374, %dma_wait3A_375] : memref<200x64xf32, #tpu.memory_space<vmem>> -> memref<128x64xf32, #tpu.memory_space<vmem>>
    %dma_wait3A_377 = arith.constant 0 : i32
    %dma_wait3A_378 = arith.constant 0 : i32
    %dma_wait3A_379 = tpu.memref_slice %arg4[%dma_wait3A_373, %dma_wait3A_377, %dma_wait3A_378] : memref<4096x200x64xf32, #tpu.memory_space<hbm>> -> memref<1x128x64xf32, #tpu.memory_space<hbm>>
    %dma_wait3A_380 = tpu.memref_squeeze %dma_wait3A_379 : memref<1x128x64xf32, #tpu.memory_space<hbm>> -> memref<128x64xf32, #tpu.memory_space<hbm>>
    %dma_wait3A_381 = arith.constant 0 : i32
    %dma_wait3A_382 = arith.constant 0 : i32
    %dma_wait3A_383 = tpu.memref_slice %arg7[%dma_wait3A_381, %dma_wait3A_382] : memref<200x64xf32, #tpu.memory_space<vmem>> -> memref<128x64xf32, #tpu.memory_space<vmem>>
    %dma_wait3A_384 = arith.constant 0 : i32
    %dma_wait3A_385 = arith.constant 0 : i32
    %dma_wait3A_386 = tpu.memref_slice %arg4[%dma_wait3A_373, %dma_wait3A_384, %dma_wait3A_385] : memref<4096x200x64xf32, #tpu.memory_space<hbm>> -> memref<1x128x64xf32, #tpu.memory_space<hbm>>
    %dma_wait3A_387 = tpu.memref_squeeze %dma_wait3A_386 : memref<1x128x64xf32, #tpu.memory_space<hbm>> -> memref<128x64xf32, #tpu.memory_space<hbm>>
    tpu.wait_dma2 semaphore(%arg11 : memref<!tpu.dma_semaphore, #tpu.memory_space<semaphore_mem>>) src(%dma_wait3A_387 : memref<128x64xf32, #tpu.memory_space<hbm>>) dst(%dma_wait3A_383 : memref<128x64xf32, #tpu.memory_space<vmem>>)
    %dma_wait3A_388 = arith.constant 0 : i32
    %dma_wait3A_389 = arith.constant 128 : i32
    %dma_wait3A_390 = arith.constant 0 : i32
    %dma_wait3A_391 = tpu.memref_slice %arg7[%dma_wait3A_389, %dma_wait3A_390] : memref<200x64xf32, #tpu.memory_space<vmem>> -> memref<72x64xf32, #tpu.memory_space<vmem>>
    %dma_wait3A_392 = arith.constant 128 : i32
    %dma_wait3A_393 = arith.constant 0 : i32
    %dma_wait3A_394 = tpu.memref_slice %arg4[%dma_wait3A_388, %dma_wait3A_392, %dma_wait3A_393] : memref<4096x200x64xf32, #tpu.memory_space<hbm>> -> memref<1x72x64xf32, #tpu.memory_space<hbm>>
    %dma_wait3A_395 = tpu.memref_squeeze %dma_wait3A_394 : memref<1x72x64xf32, #tpu.memory_space<hbm>> -> memref<72x64xf32, #tpu.memory_space<hbm>>
    %dma_wait3A_396 = arith.constant 128 : i32
    %dma_wait3A_397 = arith.constant 0 : i32
    %dma_wait3A_398 = tpu.memref_slice %arg7[%dma_wait3A_396, %dma_wait3A_397] : memref<200x64xf32, #tpu.memory_space<vmem>> -> memref<72x64xf32, #tpu.memory_space<vmem>>
    %dma_wait3A_399 = arith.constant 128 : i32
    %dma_wait3A_400 = arith.constant 0 : i32
    %dma_wait3A_401 = tpu.memref_slice %arg4[%dma_wait3A_388, %dma_wait3A_399, %dma_wait3A_400] : memref<4096x200x64xf32, #tpu.memory_space<hbm>> -> memref<1x72x64xf32, #tpu.memory_space<hbm>>
    %dma_wait3A_402 = tpu.memref_squeeze %dma_wait3A_401 : memref<1x72x64xf32, #tpu.memory_space<hbm>> -> memref<72x64xf32, #tpu.memory_space<hbm>>
    tpu.wait_dma2 semaphore(%arg11 : memref<!tpu.dma_semaphore, #tpu.memory_space<semaphore_mem>>) src(%dma_wait3A_402 : memref<72x64xf32, #tpu.memory_space<hbm>>) dst(%dma_wait3A_398 : memref<72x64xf32, #tpu.memory_space<vmem>>)
    %add3A_403 = arith.constant 125 : i32
    %add3A_404 = arith.addi %mul3A_2, %add3A_403 : i32
    %dma_start3A_405 = arith.constant 0 : i32
    %dma_start3A_406 = arith.constant 0 : i32
    %dma_start3A_407 = tpu.memref_slice %arg4[%add3A_404, %dma_start3A_405, %dma_start3A_406] : memref<4096x200x64xf32, #tpu.memory_space<hbm>> -> memref<1x200x64xf32, #tpu.memory_space<hbm>>
    %dma_start3A_408 = tpu.memref_squeeze %dma_start3A_407 : memref<1x200x64xf32, #tpu.memory_space<hbm>> -> memref<200x64xf32, #tpu.memory_space<hbm>>
    %dma_start3A_409 = arith.constant 0 : i32
    %dma_start3A_410 = arith.constant 0 : i32
    %dma_start3A_411 = tpu.memref_slice %arg4[%add3A_404, %dma_start3A_409, %dma_start3A_410] : memref<4096x200x64xf32, #tpu.memory_space<hbm>> -> memref<1x200x64xf32, #tpu.memory_space<hbm>>
    %dma_start3A_412 = tpu.memref_squeeze %dma_start3A_411 : memref<1x200x64xf32, #tpu.memory_space<hbm>> -> memref<200x64xf32, #tpu.memory_space<hbm>>
    tpu.enqueue_dma source(%arg7 : memref<200x64xf32, #tpu.memory_space<vmem>>) target(%dma_start3A_412 : memref<200x64xf32, #tpu.memory_space<hbm>>) target_semaphore(%arg15 : memref<!tpu.dma_semaphore, #tpu.memory_space<semaphore_mem>>)
    %dma_wait3A_413 = arith.constant 0 : i32
    %dma_wait3A_414 = arith.constant 0 : i32
    %dma_wait3A_415 = arith.constant 0 : i32
    %dma_wait3A_416 = tpu.memref_slice %arg4[%dma_wait3A_413, %dma_wait3A_414, %dma_wait3A_415] : memref<4096x200x64xf32, #tpu.memory_space<hbm>> -> memref<1x200x64xf32, #tpu.memory_space<hbm>>
    %dma_wait3A_417 = tpu.memref_squeeze %dma_wait3A_416 : memref<1x200x64xf32, #tpu.memory_space<hbm>> -> memref<200x64xf32, #tpu.memory_space<hbm>>
    %dma_wait3A_418 = arith.constant 0 : i32
    %dma_wait3A_419 = arith.constant 0 : i32
    %dma_wait3A_420 = tpu.memref_slice %arg4[%dma_wait3A_413, %dma_wait3A_418, %dma_wait3A_419] : memref<4096x200x64xf32, #tpu.memory_space<hbm>> -> memref<1x200x64xf32, #tpu.memory_space<hbm>>
    %dma_wait3A_421 = tpu.memref_squeeze %dma_wait3A_420 : memref<1x200x64xf32, #tpu.memory_space<hbm>> -> memref<200x64xf32, #tpu.memory_space<hbm>>
    tpu.wait_dma2 semaphore(%arg17 : memref<!tpu.dma_semaphore, #tpu.memory_space<semaphore_mem>>) src(%arg9 : memref<200x64xf32, #tpu.memory_space<vmem>>) dst(%dma_wait3A_421 : memref<200x64xf32, #tpu.memory_space<hbm>>)
    %dma_start3A_422 = arith.constant 127 : i32
    %dma_start3A_423 = arith.constant 0 : i32
    %dma_start3A_424 = arith.constant 0 : i32
    %dma_start3A_425 = tpu.memref_slice %arg9[%dma_start3A_423, %dma_start3A_424] : memref<200x64xf32, #tpu.memory_space<vmem>> -> memref<128x64xf32, #tpu.memory_space<vmem>>
    %dma_start3A_426 = arith.constant 0 : i32
    %dma_start3A_427 = tpu.memref_slice %arg5[%dma_start3A_422, %dma_start3A_426] : memref<128x200xi32, #tpu.memory_space<vmem>> -> memref<1x128xi32, #tpu.memory_space<vmem>>
    %dma_start3A_428 = tpu.memref_squeeze %dma_start3A_427 : memref<1x128xi32, #tpu.memory_space<vmem>> -> memref<128xi32, #tpu.memory_space<vmem>>
    %dma_start3A_429 = arith.constant 0 : i32
    %dma_start3A_430 = arith.constant 0 : i32
    %dma_start3A_431 = tpu.memref_slice %arg3[%dma_start3A_429, %dma_start3A_430] : memref<1000000x64xf32, #tpu.memory_space<hbm>> -> memref<1000000x64xf32, #tpu.memory_space<hbm>>
    tpu.enqueue_indirect_dma source(%dma_start3A_431 : memref<1000000x64xf32, #tpu.memory_space<hbm>>) target(%dma_start3A_425 : memref<128x64xf32, #tpu.memory_space<vmem>>) offsets(%dma_start3A_428 : memref<128xi32, #tpu.memory_space<vmem>>) semaphore(%arg13 : memref<!tpu.dma_semaphore, #tpu.memory_space<semaphore_mem>>)
    %dma_start3A_432 = arith.constant 127 : i32
    %dma_start3A_433 = arith.constant 128 : i32
    %dma_start3A_434 = arith.constant 0 : i32
    %dma_start3A_435 = tpu.memref_slice %arg9[%dma_start3A_433, %dma_start3A_434] : memref<200x64xf32, #tpu.memory_space<vmem>> -> memref<72x64xf32, #tpu.memory_space<vmem>>
    %dma_start3A_436 = arith.constant 128 : i32
    %dma_start3A_437 = tpu.memref_slice %arg5[%dma_start3A_432, %dma_start3A_436] : memref<128x200xi32, #tpu.memory_space<vmem>> -> memref<1x72xi32, #tpu.memory_space<vmem>>
    %dma_start3A_438 = tpu.memref_squeeze %dma_start3A_437 : memref<1x72xi32, #tpu.memory_space<vmem>> -> memref<72xi32, #tpu.memory_space<vmem>>
    %dma_start3A_439 = arith.constant 0 : i32
    %dma_start3A_440 = arith.constant 0 : i32
    %dma_start3A_441 = tpu.memref_slice %arg3[%dma_start3A_439, %dma_start3A_440] : memref<1000000x64xf32, #tpu.memory_space<hbm>> -> memref<1000000x64xf32, #tpu.memory_space<hbm>>
    tpu.enqueue_indirect_dma source(%dma_start3A_441 : memref<1000000x64xf32, #tpu.memory_space<hbm>>) target(%dma_start3A_435 : memref<72x64xf32, #tpu.memory_space<vmem>>) offsets(%dma_start3A_438 : memref<72xi32, #tpu.memory_space<vmem>>) semaphore(%arg13 : memref<!tpu.dma_semaphore, #tpu.memory_space<semaphore_mem>>)
    %dma_wait3A_442 = arith.constant 0 : i32
    %dma_wait3A_443 = arith.constant 0 : i32
    %dma_wait3A_444 = arith.constant 0 : i32
    %dma_wait3A_445 = tpu.memref_slice %arg8[%dma_wait3A_443, %dma_wait3A_444] : memref<200x64xf32, #tpu.memory_space<vmem>> -> memref<128x64xf32, #tpu.memory_space<vmem>>
    %dma_wait3A_446 = arith.constant 0 : i32
    %dma_wait3A_447 = arith.constant 0 : i32
    %dma_wait3A_448 = tpu.memref_slice %arg4[%dma_wait3A_442, %dma_wait3A_446, %dma_wait3A_447] : memref<4096x200x64xf32, #tpu.memory_space<hbm>> -> memref<1x128x64xf32, #tpu.memory_space<hbm>>
    %dma_wait3A_449 = tpu.memref_squeeze %dma_wait3A_448 : memref<1x128x64xf32, #tpu.memory_space<hbm>> -> memref<128x64xf32, #tpu.memory_space<hbm>>
    %dma_wait3A_450 = arith.constant 0 : i32
    %dma_wait3A_451 = arith.constant 0 : i32
    %dma_wait3A_452 = tpu.memref_slice %arg8[%dma_wait3A_450, %dma_wait3A_451] : memref<200x64xf32, #tpu.memory_space<vmem>> -> memref<128x64xf32, #tpu.memory_space<vmem>>
    %dma_wait3A_453 = arith.constant 0 : i32
    %dma_wait3A_454 = arith.constant 0 : i32
    %dma_wait3A_455 = tpu.memref_slice %arg4[%dma_wait3A_442, %dma_wait3A_453, %dma_wait3A_454] : memref<4096x200x64xf32, #tpu.memory_space<hbm>> -> memref<1x128x64xf32, #tpu.memory_space<hbm>>
    %dma_wait3A_456 = tpu.memref_squeeze %dma_wait3A_455 : memref<1x128x64xf32, #tpu.memory_space<hbm>> -> memref<128x64xf32, #tpu.memory_space<hbm>>
    tpu.wait_dma2 semaphore(%arg12 : memref<!tpu.dma_semaphore, #tpu.memory_space<semaphore_mem>>) src(%dma_wait3A_456 : memref<128x64xf32, #tpu.memory_space<hbm>>) dst(%dma_wait3A_452 : memref<128x64xf32, #tpu.memory_space<vmem>>)
    %dma_wait3A_457 = arith.constant 0 : i32
    %dma_wait3A_458 = arith.constant 128 : i32
    %dma_wait3A_459 = arith.constant 0 : i32
    %dma_wait3A_460 = tpu.memref_slice %arg8[%dma_wait3A_458, %dma_wait3A_459] : memref<200x64xf32, #tpu.memory_space<vmem>> -> memref<72x64xf32, #tpu.memory_space<vmem>>
    %dma_wait3A_461 = arith.constant 128 : i32
    %dma_wait3A_462 = arith.constant 0 : i32
    %dma_wait3A_463 = tpu.memref_slice %arg4[%dma_wait3A_457, %dma_wait3A_461, %dma_wait3A_462] : memref<4096x200x64xf32, #tpu.memory_space<hbm>> -> memref<1x72x64xf32, #tpu.memory_space<hbm>>
    %dma_wait3A_464 = tpu.memref_squeeze %dma_wait3A_463 : memref<1x72x64xf32, #tpu.memory_space<hbm>> -> memref<72x64xf32, #tpu.memory_space<hbm>>
    %dma_wait3A_465 = arith.constant 128 : i32
    %dma_wait3A_466 = arith.constant 0 : i32
    %dma_wait3A_467 = tpu.memref_slice %arg8[%dma_wait3A_465, %dma_wait3A_466] : memref<200x64xf32, #tpu.memory_space<vmem>> -> memref<72x64xf32, #tpu.memory_space<vmem>>
    %dma_wait3A_468 = arith.constant 128 : i32
    %dma_wait3A_469 = arith.constant 0 : i32
    %dma_wait3A_470 = tpu.memref_slice %arg4[%dma_wait3A_457, %dma_wait3A_468, %dma_wait3A_469] : memref<4096x200x64xf32, #tpu.memory_space<hbm>> -> memref<1x72x64xf32, #tpu.memory_space<hbm>>
    %dma_wait3A_471 = tpu.memref_squeeze %dma_wait3A_470 : memref<1x72x64xf32, #tpu.memory_space<hbm>> -> memref<72x64xf32, #tpu.memory_space<hbm>>
    tpu.wait_dma2 semaphore(%arg12 : memref<!tpu.dma_semaphore, #tpu.memory_space<semaphore_mem>>) src(%dma_wait3A_471 : memref<72x64xf32, #tpu.memory_space<hbm>>) dst(%dma_wait3A_467 : memref<72x64xf32, #tpu.memory_space<vmem>>)
    %add3A_472 = arith.constant 126 : i32
    %add3A_473 = arith.addi %mul3A_2, %add3A_472 : i32
    %dma_start3A_474 = arith.constant 0 : i32
    %dma_start3A_475 = arith.constant 0 : i32
    %dma_start3A_476 = tpu.memref_slice %arg4[%add3A_473, %dma_start3A_474, %dma_start3A_475] : memref<4096x200x64xf32, #tpu.memory_space<hbm>> -> memref<1x200x64xf32, #tpu.memory_space<hbm>>
    %dma_start3A_477 = tpu.memref_squeeze %dma_start3A_476 : memref<1x200x64xf32, #tpu.memory_space<hbm>> -> memref<200x64xf32, #tpu.memory_space<hbm>>
    %dma_start3A_478 = arith.constant 0 : i32
    %dma_start3A_479 = arith.constant 0 : i32
    %dma_start3A_480 = tpu.memref_slice %arg4[%add3A_473, %dma_start3A_478, %dma_start3A_479] : memref<4096x200x64xf32, #tpu.memory_space<hbm>> -> memref<1x200x64xf32, #tpu.memory_space<hbm>>
    %dma_start3A_481 = tpu.memref_squeeze %dma_start3A_480 : memref<1x200x64xf32, #tpu.memory_space<hbm>> -> memref<200x64xf32, #tpu.memory_space<hbm>>
    tpu.enqueue_dma source(%arg8 : memref<200x64xf32, #tpu.memory_space<vmem>>) target(%dma_start3A_481 : memref<200x64xf32, #tpu.memory_space<hbm>>) target_semaphore(%arg16 : memref<!tpu.dma_semaphore, #tpu.memory_space<semaphore_mem>>)
    %dma_wait3A_482 = arith.constant 0 : i32
    %dma_wait3A_483 = arith.constant 0 : i32
    %dma_wait3A_484 = arith.constant 0 : i32
    %dma_wait3A_485 = tpu.memref_slice %arg4[%dma_wait3A_482, %dma_wait3A_483, %dma_wait3A_484] : memref<4096x200x64xf32, #tpu.memory_space<hbm>> -> memref<1x200x64xf32, #tpu.memory_space<hbm>>
    %dma_wait3A_486 = tpu.memref_squeeze %dma_wait3A_485 : memref<1x200x64xf32, #tpu.memory_space<hbm>> -> memref<200x64xf32, #tpu.memory_space<hbm>>
    %dma_wait3A_487 = arith.constant 0 : i32
    %dma_wait3A_488 = arith.constant 0 : i32
    %dma_wait3A_489 = tpu.memref_slice %arg4[%dma_wait3A_482, %dma_wait3A_487, %dma_wait3A_488] : memref<4096x200x64xf32, #tpu.memory_space<hbm>> -> memref<1x200x64xf32, #tpu.memory_space<hbm>>
    %dma_wait3A_490 = tpu.memref_squeeze %dma_wait3A_489 : memref<1x200x64xf32, #tpu.memory_space<hbm>> -> memref<200x64xf32, #tpu.memory_space<hbm>>
    tpu.wait_dma2 semaphore(%arg14 : memref<!tpu.dma_semaphore, #tpu.memory_space<semaphore_mem>>) src(%arg6 : memref<200x64xf32, #tpu.memory_space<vmem>>) dst(%dma_wait3A_490 : memref<200x64xf32, #tpu.memory_space<hbm>>)
    %dma_wait3A_491 = arith.constant 0 : i32
    %dma_wait3A_492 = arith.constant 0 : i32
    %dma_wait3A_493 = arith.constant 0 : i32
    %dma_wait3A_494 = tpu.memref_slice %arg9[%dma_wait3A_492, %dma_wait3A_493] : memref<200x64xf32, #tpu.memory_space<vmem>> -> memref<128x64xf32, #tpu.memory_space<vmem>>
    %dma_wait3A_495 = arith.constant 0 : i32
    %dma_wait3A_496 = arith.constant 0 : i32
    %dma_wait3A_497 = tpu.memref_slice %arg4[%dma_wait3A_491, %dma_wait3A_495, %dma_wait3A_496] : memref<4096x200x64xf32, #tpu.memory_space<hbm>> -> memref<1x128x64xf32, #tpu.memory_space<hbm>>
    %dma_wait3A_498 = tpu.memref_squeeze %dma_wait3A_497 : memref<1x128x64xf32, #tpu.memory_space<hbm>> -> memref<128x64xf32, #tpu.memory_space<hbm>>
    %dma_wait3A_499 = arith.constant 0 : i32
    %dma_wait3A_500 = arith.constant 0 : i32
    %dma_wait3A_501 = tpu.memref_slice %arg9[%dma_wait3A_499, %dma_wait3A_500] : memref<200x64xf32, #tpu.memory_space<vmem>> -> memref<128x64xf32, #tpu.memory_space<vmem>>
    %dma_wait3A_502 = arith.constant 0 : i32
    %dma_wait3A_503 = arith.constant 0 : i32
    %dma_wait3A_504 = tpu.memref_slice %arg4[%dma_wait3A_491, %dma_wait3A_502, %dma_wait3A_503] : memref<4096x200x64xf32, #tpu.memory_space<hbm>> -> memref<1x128x64xf32, #tpu.memory_space<hbm>>
    %dma_wait3A_505 = tpu.memref_squeeze %dma_wait3A_504 : memref<1x128x64xf32, #tpu.memory_space<hbm>> -> memref<128x64xf32, #tpu.memory_space<hbm>>
    tpu.wait_dma2 semaphore(%arg13 : memref<!tpu.dma_semaphore, #tpu.memory_space<semaphore_mem>>) src(%dma_wait3A_505 : memref<128x64xf32, #tpu.memory_space<hbm>>) dst(%dma_wait3A_501 : memref<128x64xf32, #tpu.memory_space<vmem>>)
    %dma_wait3A_506 = arith.constant 0 : i32
    %dma_wait3A_507 = arith.constant 128 : i32
    %dma_wait3A_508 = arith.constant 0 : i32
    %dma_wait3A_509 = tpu.memref_slice %arg9[%dma_wait3A_507, %dma_wait3A_508] : memref<200x64xf32, #tpu.memory_space<vmem>> -> memref<72x64xf32, #tpu.memory_space<vmem>>
    %dma_wait3A_510 = arith.constant 128 : i32
    %dma_wait3A_511 = arith.constant 0 : i32
    %dma_wait3A_512 = tpu.memref_slice %arg4[%dma_wait3A_506, %dma_wait3A_510, %dma_wait3A_511] : memref<4096x200x64xf32, #tpu.memory_space<hbm>> -> memref<1x72x64xf32, #tpu.memory_space<hbm>>
    %dma_wait3A_513 = tpu.memref_squeeze %dma_wait3A_512 : memref<1x72x64xf32, #tpu.memory_space<hbm>> -> memref<72x64xf32, #tpu.memory_space<hbm>>
    %dma_wait3A_514 = arith.constant 128 : i32
    %dma_wait3A_515 = arith.constant 0 : i32
    %dma_wait3A_516 = tpu.memref_slice %arg9[%dma_wait3A_514, %dma_wait3A_515] : memref<200x64xf32, #tpu.memory_space<vmem>> -> memref<72x64xf32, #tpu.memory_space<vmem>>
    %dma_wait3A_517 = arith.constant 128 : i32
    %dma_wait3A_518 = arith.constant 0 : i32
    %dma_wait3A_519 = tpu.memref_slice %arg4[%dma_wait3A_506, %dma_wait3A_517, %dma_wait3A_518] : memref<4096x200x64xf32, #tpu.memory_space<hbm>> -> memref<1x72x64xf32, #tpu.memory_space<hbm>>
    %dma_wait3A_520 = tpu.memref_squeeze %dma_wait3A_519 : memref<1x72x64xf32, #tpu.memory_space<hbm>> -> memref<72x64xf32, #tpu.memory_space<hbm>>
    tpu.wait_dma2 semaphore(%arg13 : memref<!tpu.dma_semaphore, #tpu.memory_space<semaphore_mem>>) src(%dma_wait3A_520 : memref<72x64xf32, #tpu.memory_space<hbm>>) dst(%dma_wait3A_516 : memref<72x64xf32, #tpu.memory_space<vmem>>)
    %add3A_521 = arith.constant 127 : i32
    %add3A_522 = arith.addi %mul3A_2, %add3A_521 : i32
    %dma_start3A_523 = arith.constant 0 : i32
    %dma_start3A_524 = arith.constant 0 : i32
    %dma_start3A_525 = tpu.memref_slice %arg4[%add3A_522, %dma_start3A_523, %dma_start3A_524] : memref<4096x200x64xf32, #tpu.memory_space<hbm>> -> memref<1x200x64xf32, #tpu.memory_space<hbm>>
    %dma_start3A_526 = tpu.memref_squeeze %dma_start3A_525 : memref<1x200x64xf32, #tpu.memory_space<hbm>> -> memref<200x64xf32, #tpu.memory_space<hbm>>
    %dma_start3A_527 = arith.constant 0 : i32
    %dma_start3A_528 = arith.constant 0 : i32
    %dma_start3A_529 = tpu.memref_slice %arg4[%add3A_522, %dma_start3A_527, %dma_start3A_528] : memref<4096x200x64xf32, #tpu.memory_space<hbm>> -> memref<1x200x64xf32, #tpu.memory_space<hbm>>
    %dma_start3A_530 = tpu.memref_squeeze %dma_start3A_529 : memref<1x200x64xf32, #tpu.memory_space<hbm>> -> memref<200x64xf32, #tpu.memory_space<hbm>>
    tpu.enqueue_dma source(%arg9 : memref<200x64xf32, #tpu.memory_space<vmem>>) target(%dma_start3A_530 : memref<200x64xf32, #tpu.memory_space<hbm>>) target_semaphore(%arg17 : memref<!tpu.dma_semaphore, #tpu.memory_space<semaphore_mem>>)
    %dma_wait3A_531 = arith.constant 0 : i32
    %dma_wait3A_532 = arith.constant 0 : i32
    %dma_wait3A_533 = arith.constant 0 : i32
    %dma_wait3A_534 = tpu.memref_slice %arg4[%dma_wait3A_531, %dma_wait3A_532, %dma_wait3A_533] : memref<4096x200x64xf32, #tpu.memory_space<hbm>> -> memref<1x200x64xf32, #tpu.memory_space<hbm>>
    %dma_wait3A_535 = tpu.memref_squeeze %dma_wait3A_534 : memref<1x200x64xf32, #tpu.memory_space<hbm>> -> memref<200x64xf32, #tpu.memory_space<hbm>>
    %dma_wait3A_536 = arith.constant 0 : i32
    %dma_wait3A_537 = arith.constant 0 : i32
    %dma_wait3A_538 = tpu.memref_slice %arg4[%dma_wait3A_531, %dma_wait3A_536, %dma_wait3A_537] : memref<4096x200x64xf32, #tpu.memory_space<hbm>> -> memref<1x200x64xf32, #tpu.memory_space<hbm>>
    %dma_wait3A_539 = tpu.memref_squeeze %dma_wait3A_538 : memref<1x200x64xf32, #tpu.memory_space<hbm>> -> memref<200x64xf32, #tpu.memory_space<hbm>>
    tpu.wait_dma2 semaphore(%arg15 : memref<!tpu.dma_semaphore, #tpu.memory_space<semaphore_mem>>) src(%arg7 : memref<200x64xf32, #tpu.memory_space<vmem>>) dst(%dma_wait3A_539 : memref<200x64xf32, #tpu.memory_space<hbm>>)
    %dma_wait3A_540 = arith.constant 0 : i32
    %dma_wait3A_541 = arith.constant 0 : i32
    %dma_wait3A_542 = arith.constant 0 : i32
    %dma_wait3A_543 = tpu.memref_slice %arg4[%dma_wait3A_540, %dma_wait3A_541, %dma_wait3A_542] : memref<4096x200x64xf32, #tpu.memory_space<hbm>> -> memref<1x200x64xf32, #tpu.memory_space<hbm>>
    %dma_wait3A_544 = tpu.memref_squeeze %dma_wait3A_543 : memref<1x200x64xf32, #tpu.memory_space<hbm>> -> memref<200x64xf32, #tpu.memory_space<hbm>>
    %dma_wait3A_545 = arith.constant 0 : i32
    %dma_wait3A_546 = arith.constant 0 : i32
    %dma_wait3A_547 = tpu.memref_slice %arg4[%dma_wait3A_540, %dma_wait3A_545, %dma_wait3A_546] : memref<4096x200x64xf32, #tpu.memory_space<hbm>> -> memref<1x200x64xf32, #tpu.memory_space<hbm>>
    %dma_wait3A_548 = tpu.memref_squeeze %dma_wait3A_547 : memref<1x200x64xf32, #tpu.memory_space<hbm>> -> memref<200x64xf32, #tpu.memory_space<hbm>>
    tpu.wait_dma2 semaphore(%arg16 : memref<!tpu.dma_semaphore, #tpu.memory_space<semaphore_mem>>) src(%arg8 : memref<200x64xf32, #tpu.memory_space<vmem>>) dst(%dma_wait3A_548 : memref<200x64xf32, #tpu.memory_space<hbm>>)
    %dma_wait3A_549 = arith.constant 0 : i32
    %dma_wait3A_550 = arith.constant 0 : i32
    %dma_wait3A_551 = arith.constant 0 : i32
    %dma_wait3A_552 = tpu.memref_slice %arg4[%dma_wait3A_549, %dma_wait3A_550, %dma_wait3A_551] : memref<4096x200x64xf32, #tpu.memory_space<hbm>> -> memref<1x200x64xf32, #tpu.memory_space<hbm>>
    %dma_wait3A_553 = tpu.memref_squeeze %dma_wait3A_552 : memref<1x200x64xf32, #tpu.memory_space<hbm>> -> memref<200x64xf32, #tpu.memory_space<hbm>>
    %dma_wait3A_554 = arith.constant 0 : i32
    %dma_wait3A_555 = arith.constant 0 : i32
    %dma_wait3A_556 = tpu.memref_slice %arg4[%dma_wait3A_549, %dma_wait3A_554, %dma_wait3A_555] : memref<4096x200x64xf32, #tpu.memory_space<hbm>> -> memref<1x200x64xf32, #tpu.memory_space<hbm>>
    %dma_wait3A_557 = tpu.memref_squeeze %dma_wait3A_556 : memref<1x200x64xf32, #tpu.memory_space<hbm>> -> memref<200x64xf32, #tpu.memory_space<hbm>>
    tpu.wait_dma2 semaphore(%arg17 : memref<!tpu.dma_semaphore, #tpu.memory_space<semaphore_mem>>) src(%arg9 : memref<200x64xf32, #tpu.memory_space<vmem>>) dst(%dma_wait3A_557 : memref<200x64xf32, #tpu.memory_space<hbm>>)
    return
  }
}

</mosaic_0001>

<sc_bundles>
// kernel: kernel.3.cloned.1.call-start
scs
__scs_entry_jumppad:
0x0: {  	(pc) =	sbr.rel $0x88, $3  }
0x1: {  	(tag) =	ssettag $0x0;
	lr =	simm.s32 $0x1  }
0x2: {  	[smem:$0x3F9F] =	sst lr;
	_ =	strace $0xD0000000  }
0x3: {  	_ = 	snop  }
0x4: {  	_ = 	snop  }
0x5: {  	_ = 	snop  }
0x6: {  	_ = 	snop  }
0x7: {  	_ = 	snop  }
__scs_overlays_trampoline_lowered:
0x8: {  	[smem:$0x3FAE] =	sst s0  }
0x9: {  	[smem:$0x3FAF] =	sst s1  }
0xa: {  	[smem:$0x3FB0] =	sst s2  }
0xb: {  	[smem:$0x3FB1] =	sst s3  }
0xc: {  	[smem:$0x3FB2] =	sst s4  }
0xd: {  	[smem:$0x3FB3] =	sst s5  }
0xe: {  	[smem:$0x3FB4] =	sst s6  }
0xf: {  	[smem:$0x3FB5] =	sst s7  }
0x10: {  	[smem:$0x3FB6] =	sst s8  }
0x11: {  	[smem:$0x3FB7] =	sst s9;
	s0 =	simm.s32 @!p0 $0x0  }
0x12: {  	s1 =	sld [smem:$0x3F9D];
	s0 =	simm.s32 @p0 $0x1  }
0x13: {  	[smem:$0x3FB8] =	sst s0;
	s0 =	simm.s32 @!p1 $0x0  }
0x14: {  	s2 =	sld [smem:$0x3F9C];
	s0 =	simm.s32 @p1 $0x1  }
0x15: {  	[smem:$0x3FB9] =	sst s0;
	s0 =	simm.s32 @!p2 $0x0  }
0x16: {  	s3 =	sld [smem:$0x3FDB];
	s0 =	simm.s32 @p2 $0x1  }
0x17: {  	s4 =	simm.s32 $0x1BF5;
	[smem:$0x3FBB] =	sst s0  }
0x18: {  	s0 =	sld [smem:$0x3F9E];
	_ =	swait.ge [sflag:s4], $0x0  }
0x19: {  	s7 =	sld [smem:$0x3F9F]  }
0x1a: {  	s8 =	sadd.s32 $0xFFFFE003, lr  }
0x1b: {  	s9 =	sadd.s32 $0xFFFFFEF7, lr;
	s5 =	simm.s32 $0xFFFFFFFF;
	p2 =	slt.u32 s8, $0xFFFFF086  }
0x1c: {  	p1 =	slt.u32 s9, $0xF7A;
	s5 =	simm.s32 @!p2 $0x0  }
0x1d: {  	s5 =	simm.s32 @p1 $0x1;
	p0 =	seq.s32 s7, s2  }
0x1e: {  	s7 =	smul.u32 @!p0 $0xF7A, s2;
	p2 =	seq.s32 @!p0 s5, $0x0  }
0x1f: {  	s9 =	smul.u32 $0xF7A, s1;
	s8 =	simm.s32 @!p0 $0x1BF5;
	p2 =	por !p2, p0  }
0x20: {  	[sflag:s8] =	ssyncset.s32 @!p0 $0xFFFFF086;
	s6 =	sadd.s32 @!p0 s3, s7;
	s7 =	simm.s32 @!p0 $0x108  }
0x21: {  	s3 =	sadd.s32 s3, s9;
	s6 =	sadd.s32 @!p0 $0x88, s6;
	s7 =	simm.s32 @p2 $0x1082  }
0x22: {  	[simem:s7], [sflag:s8] =	dma.local @!p0 [hbm:s6], $0xF7A  }
0x23: {  	s9 =	sor.u32 $0xD0000000, s2;
	s6 =	simm.s32 $0x108;
	_ =	swait.ge @!p0 [sflag:s8], $0x0  }
0x24: {  	s3 =	sadd.s32 $0x88, s3;
	s6 =	simm.s32 @!p1 $0x1082;
	[sflag:s4] =	ssyncset.s32 $0xFFFFF086  }
0x25: {  	[simem:s6], [sflag:s4] =	dma.local [hbm:s3], $0xF7A  }
0x26: {  	[smem:$0x3F9F] =	sst s1;
	(tag) =	ssettag s2;
	_ =	strace s9  }
0x27: {  	s1 =	sld [smem:$0x3FAF]  }
0x28: {  	s2 =	sld [smem:$0x3FB0]  }
0x29: {  	s4 =	sld [smem:$0x3FB2]  }
0x2a: {  	p0 =	seq.s32 s5, $0x0;
	s5 =	sld [smem:$0x3FB3]  }
0x2b: {  	s6 =	sld [smem:$0x3FB4]  }
0x2c: {  	s7 =	sld [smem:$0x3FB5]  }
0x2d: {  	s3 =	simm.s32 $0x108;
	s8 =	sld [smem:$0x3FB6]  }
0x2e: {  	s3 =	simm.s32 @!p0 $0x1082;
	s9 =	sld [smem:$0x3FB7]  }
0x2f: {  	lr =	sadd.s32 s0, s3;
	s0 =	sld [smem:$0x3FAE]  }
0x30: {  	s3 =	sld [smem:$0x3FB1]  }
0x31: {  	[smem:$0x3FBA] =	sst s10  }
0x32: {  	s10 =	sld [smem:$0x3FB8];
	_ =	sdelay $0x3  }
0x33: {  	p0 =	seq.s32 s10, $0x1;
	s10 =	sld [smem:$0x3FBA];
	_ =	sdelay $0x3  }
0x34: {  	[smem:$0x3FBA] =	sst s10  }
0x35: {  	s10 =	sld [smem:$0x3FB9];
	_ =	sdelay $0x3  }
0x36: {  	p1 =	seq.s32 s10, $0x1;
	s10 =	sld [smem:$0x3FBA];
	_ =	sdelay $0x3  }
0x37: {  	[smem:$0x3FBA] =	sst s10  }
0x38: {  	s10 =	sld [smem:$0x3FBB]  }
0x39: {  	_ = 	snop;
	(pc) =	sbr.ind lr, $3  }
0x3a: {  	_ = 	snop  }
0x3b: {  	_ = 	snop  }
0x3c: {  	p2 =	seq.s32 s10, $0x1;
	s10 =	sld [smem:$0x3FBA]  }
0x3d: {  	_ =	shalt  }
0x3e: {  	_ =	shalt  }
0x3f: {  	_ =	shalt  }
0x40: {  	_ =	shalt  }
0x41: {  	_ =	shalt  }
0x42: {  	_ =	shalt  }
0x43: {  	_ =	shalt  }
0x44: {  	_ =	shalt  }
0x45: {  	_ =	shalt  }
0x46: {  	_ =	shalt  }
0x47: {  	_ =	shalt  }
0x48: {  	_ =	shalt  }
0x49: {  	_ =	shalt  }
0x4a: {  	_ =	shalt  }
0x4b: {  	_ =	shalt  }
0x4c: {  	_ =	shalt  }
0x4d: {  	_ =	shalt  }
0x4e: {  	_ =	shalt  }
0x4f: {  	_ =	shalt  }
0x50: {  	_ =	shalt  }
0x51: {  	_ =	shalt  }
0x52: {  	_ =	shalt  }
0x53: {  	_ =	shalt  }
0x54: {  	_ =	shalt  }
0x55: {  	_ =	shalt  }
0x56: {  	_ =	shalt  }
0x57: {  	_ =	shalt  }
0x58: {  	_ =	shalt  }
0x59: {  	_ =	shalt  }
0x5a: {  	_ =	shalt  }
0x5b: {  	_ =	shalt  }
0x5c: {  	_ =	shalt  }
0x5d: {  	_ =	shalt  }
0x5e: {  	_ =	shalt  }
0x5f: {  	_ =	shalt  }
0x60: {  	_ =	shalt  }
0x61: {  	_ =	shalt  }
0x62: {  	_ =	shalt  }
0x63: {  	_ =	shalt  }
0x64: {  	_ =	shalt  }
0x65: {  	_ =	shalt  }
0x66: {  	_ =	shalt  }
0x67: {  	_ =	shalt  }
0x68: {  	_ =	shalt  }
0x69: {  	_ =	shalt  }
0x6a: {  	_ =	shalt  }
0x6b: {  	_ =	shalt  }
0x6c: {  	_ =	shalt  }
0x6d: {  	_ =	shalt  }
0x6e: {  	_ =	shalt  }
0x6f: {  	_ =	shalt  }
0x70: {  	_ =	shalt  }
0x71: {  	_ =	shalt  }
0x72: {  	_ =	shalt  }
0x73: {  	_ =	shalt  }
0x74: {  	_ =	shalt  }
0x75: {  	_ =	shalt  }
0x76: {  	_ =	shalt  }
0x77: {  	_ =	shalt  }
0x78: {  	_ =	shalt  }
0x79: {  	_ =	shalt  }
0x7a: {  	_ =	shalt  }
0x7b: {  	_ =	shalt  }
0x7c: {  	_ =	shalt  }
0x7d: {  	_ =	shalt  }
0x7e: {  	_ =	shalt  }
0x7f: {  	_ =	shalt  }
0x80: {  	_ =	shalt  }
0x81: {  	_ =	shalt  }
0x82: {  	_ =	shalt  }
0x83: {  	_ =	shalt  }
0x84: {  	_ =	shalt  }
0x85: {  	_ =	shalt  }
0x86: {  	_ =	shalt  }
0x87: {  	_ =	shalt  }
.Lfunc_end0:
.L_simem_size_0:
called_computation.1_lowered:
.L_overlay_start_0:
0x88: {  	s2 =	sld [smem:$0x3FD9]  }
0x89: {  	s3 =	sld [smem:$0x3FFE];
	_ =	sdelay $0x1  }
0x8a: {  	s1 =	srdreg.scid  }
0x8b: {  	s0 =	sand.u32 $0x1, s1  }
0x8c: {  	s17 =	sshll.u32 s0, $0xA;
	s2 =	sadd.s32 s3, s2  }
0x8d: {  	s2 =	sadd.s32 s2, s17  }
0x8e: {  	[smem:$0x3FC6] =	sst s2  }
0x8f: {  	_ = 	snop  }
0x90: {  	s2 =	sld [smem:$0x3FD0];
	(tm) =	ssettm $0x1  }
0x91: {  	s18 =	sld [smem:$0x3FFB];
	_ =	sdelay $0x3  }
0x92: {  	_ =	strace s18  }
0x93: {  	s3 =	sld [smem:$0x3FFC];
	_ =	sdelay $0x3  }
0x94: {  	_ =	strace s3  }
0x95: {  	s3 =	sld [smem:$0x3FFD];
	_ =	sdelay $0x3  }
0x96: {  	_ =	strace s3  }
0x97: {  	_ =	strace $0x8FFFFFFF  }
0x98: {  	s19 =	sld [smem:$0x3FDB];
	_ =	sdelay $0x1  }
0x99: {  	s4 =	simm.s32 $_scs_section_size  }
0x9a: {  	s5 =	simm.s32 $_size__tile_overlayer_lowered;
	s6 =	simm.s32 $_tile_overlayer_lowered  }
0x9b: {  	s22 =	simm.s32 $0x1BFF;
	s21 =	sshll.u32 s6, $0x1;
	s3 =	sadd.s32 s4, s19  }
0x9c: {  	s7 =	simm.s32 $0x0;
	s20 =	sshll.u32 s5, $0x1;
	s5 =	sadd.s32 s21, s3  }
0x9d: {  	[timem:s7], [sflag:s22] =	dma.local [hbm:s5], s20  }
0x9e: {  	_ =	swait.ge [sflag:s22], s20  }
0x9f: {  	s4 =	ssub.s32 $0x0, s20;
	[sflag:s22] =	ssyncset.done $0x0  }
0xa0: {  	[sflag:s22] =	ssyncadd.s32 s4;
	_ =	sdelay $0x1  }
0xa1: {  	s23 =	simm.s32 $0x1B8B  }
0xa2: {  	_ =	swait.ge [sflag:s23], $0x1  }
0xa3: {  	[sflag:s23] =	ssyncset.done $0x0  }
0xa4: {  	s25 =	simm.s32 $0x1B8E;
	s24 =	sld [smem:$0x3FFE];
	[sflag:s23] =	ssyncadd.s32 $0xFFFFFFFF  }
0xa5: {  	s26 =	simm.s32 $execute0_lowered;
	[smem:$0x3FD2] =	sst s25  }
0xa6: {  	s5 =	sshll.u32 s26, $0x1;
	_ =	strace $0x80000046;
	[dreg:$0x1] =	wrdreg $0xFFFFFFFF  }
0xa7: {  	s28 =	simm.s32 $_size_execute0_lowered;
	s3 =	sadd.s32 s3, s5;
	[dreg:$0x0] =	wrdreg $0x0  }
0xa8: {  	s5 =	sshll.u32 s28, $0x1;
	[dreg:$0x2] =	wrdreg s3  }
0xa9: {  	[dreg:$0x3] =	wrdreg s5  }
0xaa: {  	[dreg:$0x4] =	wrdreg $0xC0  }
0xab: {  	_ =	task [dreg:s7], $0x5FFFF  }
0xac: {  	[dreg:$0x1] =	wrdreg $0xFFFFFFFF  }
0xad: {  	[dreg:$0x0] =	wrdreg $0x60  }
0xae: {  	[dreg:$0x2] =	wrdreg s24  }
0xaf: {  	[dreg:$0x3] =	wrdreg s2  }
0xb0: {  	[dreg:$0x4] =	wrdreg $0x9  }
0xb1: {  	_ =	task.clear_ibuf [dreg:s7], $0x5FFFF;
	_ =	strace $0x90000046  }
0xb2: {  	s29 =	simm.s32 $0x9;
	_ =	strace $0x80000048  }
0xb3: {  	_ =	swait.ge [sflag:s29], $0x1  }
0xb4: {  	[sflag:s29] =	ssyncadd.s32 $0xFFFFFFFF  }
0xb5: {  	_ =	strace $0x90000048  }
0xb6: {  	_ =	sfence  }
0xb7: {  	s30 =	sld [smem:$0x0];
	_ =	sdelay $0x2  }
0xb8: {  	s31 =	sshll.u32 s1, $0xD;
	s1 =	sshrl.u32 s1, $0x2  }
0xb9: {  	s3 =	sand.u32 $0x4000, s31;
	s1 =	sadd.s32 s1, s30  }
0xba: {  	s0 =	sor.u32 s3, s0;
	s1 =	sshll.u32 s1, $0x11  }
0xbb: {  	s0 =	sor.u32 s1, s0  }
0xbc: {  	s0 =	sadd.s32 $0x8F2B, s0  }
0xbd: {  	[sflag:s0] =	ssyncadd.remote.s32 $0x1  }
0xbe: {  	_ =	sfence.sel $0xFFFF  }
0xbf: {  	[dreg:$0x0] =	wrdreg $0xFFFFFFFF;
	(pc) =	sbr.abs _section_cstart, $3  }
0xc0: {  	[dreg:$0x1] =	wrdreg $0xFFFFFFFF  }
0xc1: {  	_ =	task.clear_ibuf [dreg:s7], $0x2FFFF;
	_ =	strace $0x9FFFFFFF  }
0xc2: {  	(tm) =	ssettm $0x7FFFFFFF  }
0xc3: {  	_ =	shalt  }
tec
execute0_lowered:
.L_overlay_start_1:
0x0: {  	(tag) =	ssettag $0x1  }
0x1: {  	s0 =	srdreg.scid;
	s1 =	rddreg [dreg:$0x0]  }
0x2: {  	s9 =	stileid.u32;
	s5 =	rddreg [dreg:$0x1];
	s2 =	simm.s32 $0x0  }
0x3: {  	s15 =	simm.s32 $0x9;
	s16 =	simm.s32 $0x80;
	s17 =	simm.s32 $0x6400  }
0x4: {  	s18 =	simm.s32 $0x48;
	s19 =	simm.s32 $0x8400;
	s0 =	sand.u32 $0x1, s0  }
0x5: {  	s3 =	sshll.u32 s9, $0x8;
	s23 =	smul.u32 $0x64000, s9;
	s4 =	sshll.u32 s0, $0x7  }
0x6: {  	s20 =	ssub.s32 $0x2, s0;
	s0 =	smul.u32 $0x32000, s0;
	s6 =	sor.u32 s4, s3  }
0x7: {  	s29 =	simm.s32 $0xE800;
	s30 =	simm.s32 $0x2;
	s3 =	smul.u32 $0x19, s6  }
0x8: {  	s28 =	simm.s32 $0x6;
	[smem:$0x7FF] =	sst s2;
	s4 =	smul.u32 $0x640, s6  }
0x9: {  	s31 =	simm.s32 $0x7;
	_ =	strace $0x80000047;
	s6 =	smul.u32 $0x3200, s6  }
0xa: {  	s8 =	sshrl.u32 s20, $0x1;
	s7 =	sadd.s32 s3, s1;
	s3 =	sadd.s32 $0xF42E00, s1  }
0xb: {  	s4 =	sadd.s32 s5, s4;
	s1 =	ssub.s32 s20, s8;
	s6 =	sshrl.u32 s6, $0x3  }
0xc: {  	s20 =	simm.s32 $0x11A00;
	s7 =	sadd.s32 $0xA00, s7;
	s21 =	sadd.s32 $0x640, s4  }
0xd: {  	s22 =	sadd.s32 $0xC80, s4;
	s24 =	sadd.s32 $0x12C0, s4;
	[dreg:$0x3] =	wrdreg s7  }
0xe: {  	s6 =	sadd.s32 s5, s6;
	s5 =	sadd.s32 s23, s5;
	[dreg:$0x4] =	wrdreg s21  }
0xf: {  	s13 =	smax.u32 s1, $0x1;
	s23 =	simm.s32 $0xB600;
	[dreg:$0x5] =	wrdreg s22  }
0x10: {  	s1 =	simm.s32 $0xFA00;
	[dreg:$0x6] =	wrdreg s24;
	s25 =	sadd.s32 $0x30700, s6  }
0x11: {  	s26 =	sadd.s32 $0x30D40, s6;
	s11 =	sadd.s32 $0x31380, s6;
	s12 =	sadd.s32 $0x319C0, s6  }
0x12: {  	s0 =	sadd.s32 s0, s5;
	s21 =	simm.s32 $0x9600;
	s24 =	simm.s32 $0x1  }
0x13: {  	s22 =	simm.s32 $0x3;
	s5 =	simm.s32 $0x8;
	[dreg:$0x7] =	wrdreg s25  }
0x14: {  	s6 =	simm.s32 $0x0;
	[dreg:$0x8] =	wrdreg s26;
	s14 =	sadd.s32 $0x1900, s0  }
0x15: {  	s26 =	simm.s32 $0xC800;
	s25 =	simm.s32 $0x5;
	s0 =	simm.s32 $0x4  }
.LBB2_1:
0x16: {  	s7 =	rddreg [dreg:$0x3]  }
0x17: {  	[tilespmem:s2], [sflag:$0x9] =	stream.linear.gather [hbm4b:s7+s2], $0x6400, $0x38;
	[tilespmem:$0x12C00] =	vst v63  }
0x18: {  	_ =	swait.ge [sflag:s15], $0x6400  }
0x19: {  	[sflag:s15] =	ssyncset.done $0x0  }
0x1a: {  	[sflag:s15] =	ssyncadd.s32 $0xFFFF9C00  }
0x1b: {  	[tilespmem:s17], [sflag:$0x1] =	stream.indirect.gather [hbm4b:s3+s16], $0x40, s2, s16, $0xb8;
	[tilespmem:$0x12C00] =	vst v63  }
0x1c: {  	_ = 	snop  }
0x1d: {  	[tilespmem:s19], [sflag:$0x1] =	stream.indirect.gather [hbm4b:s3+s18], $0x40, s16, s18, $0xb8;
	[tilespmem:$0x12C00] =	vst v63  }
0x1e: {  	s9 =	simm.s32 $0xC8  }
0x1f: {  	[tilespmem:s21], [sflag:$0x2] =	stream.indirect.gather [hbm4b:s3+s16], $0x40, s9, s16, $0xb8;
	[tilespmem:$0x12C00] =	vst v63  }
0x20: {  	s10 =	simm.s32 $0x148  }
0x21: {  	[tilespmem:s23], [sflag:$0x2] =	stream.indirect.gather [hbm4b:s3+s18], $0x40, s10, s18, $0xb8;
	[tilespmem:$0x12C00] =	vst v63  }
0x22: {  	_ =	swait.ge [sflag:s24], $0x2000  }
0x23: {  	[sflag:s24] =	ssyncset.done $0x0  }
0x24: {  	[sflag:s24] =	ssyncadd.s32 $0xFFFFE000  }
0x25: {  	_ =	swait.ge [sflag:s24], $0x1200  }
0x26: {  	[sflag:s24] =	ssyncset.done $0x0  }
0x27: {  	[sflag:s24] =	ssyncadd.s32 $0xFFFFEE00  }
0x28: {  	[hbm4b:s4+s2] =	stream.linear.scatter [tilespmem:s17], [sflag:$0x5], $0x3200, $0x38;
	[tilespmem:$0x12C00] =	vst v63  }
0x29: {  	s8 =	simm.s32 $0x190  }
0x2a: {  	[tilespmem:s26], [sflag:$0x3] =	stream.indirect.gather [hbm4b:s3+s16], $0x40, s8, s16, $0xb8;
	[tilespmem:$0x12C00] =	vst v63  }
0x2b: {  	s9 =	simm.s32 $0x210  }
0x2c: {  	[tilespmem:s29], [sflag:$0x3] =	stream.indirect.gather [hbm4b:s3+s18], $0x40, s9, s18, $0xb8;
	[tilespmem:$0x12C00] =	vst v63  }
0x2d: {  	_ =	swait.ge [sflag:s30], $0x2000  }
0x2e: {  	[sflag:s30] =	ssyncset.done $0x0  }
0x2f: {  	[sflag:s30] =	ssyncadd.s32 $0xFFFFE000  }
0x30: {  	_ =	swait.ge [sflag:s30], $0x1200  }
0x31: {  	[sflag:s30] =	ssyncset.done $0x0  }
0x32: {  	s10 =	rddreg [dreg:$0x4];
	[sflag:s30] =	ssyncadd.s32 $0xFFFFEE00  }
0x33: {  	[hbm4b:s10+s2] =	stream.linear.scatter [tilespmem:s21], [sflag:$0x6], $0x3200, $0x38;
	[tilespmem:$0x12C00] =	vst v63  }
0x34: {  	s8 =	simm.s32 $0x258  }
0x35: {  	[tilespmem:s1], [sflag:$0x4] =	stream.indirect.gather [hbm4b:s3+s16], $0x40, s8, s16, $0xb8;
	[tilespmem:$0x12C00] =	vst v63  }
0x36: {  	s9 =	simm.s32 $0x2D8  }
0x37: {  	[tilespmem:s20], [sflag:$0x4] =	stream.indirect.gather [hbm4b:s3+s18], $0x40, s9, s18, $0xb8;
	[tilespmem:$0x12C00] =	vst v63  }
0x38: {  	_ =	swait.ge [sflag:s22], $0x2000  }
0x39: {  	[sflag:s22] =	ssyncset.done $0x0  }
0x3a: {  	[sflag:s22] =	ssyncadd.s32 $0xFFFFE000  }
0x3b: {  	_ =	swait.ge [sflag:s22], $0x1200  }
0x3c: {  	[sflag:s22] =	ssyncset.done $0x0  }
0x3d: {  	s10 =	rddreg [dreg:$0x5];
	[sflag:s22] =	ssyncadd.s32 $0xFFFFEE00  }
0x3e: {  	[hbm4b:s10+s2] =	stream.linear.scatter [tilespmem:s26], [sflag:$0x7], $0x3200, $0x38;
	[tilespmem:$0x12C00] =	vst v63  }
0x3f: {  	_ =	swait.ge [sflag:s25], $0x3200  }
0x40: {  	[sflag:s25] =	ssyncset.done $0x0  }
0x41: {  	s8 =	simm.s32 $0x320;
	[sflag:s25] =	ssyncadd.s32 $0xFFFFCE00  }
0x42: {  	[tilespmem:s17], [sflag:$0x1] =	stream.indirect.gather [hbm4b:s3+s16], $0x40, s8, s16, $0xb8;
	[tilespmem:$0x12C00] =	vst v63  }
0x43: {  	s9 =	simm.s32 $0x3A0  }
0x44: {  	[tilespmem:s19], [sflag:$0x1] =	stream.indirect.gather [hbm4b:s3+s18], $0x40, s9, s18, $0xb8;
	[tilespmem:$0x12C00] =	vst v63  }
0x45: {  	_ =	swait.ge [sflag:s0], $0x2000  }
0x46: {  	[sflag:s0] =	ssyncset.done $0x0  }
0x47: {  	[sflag:s0] =	ssyncadd.s32 $0xFFFFE000  }
0x48: {  	_ =	swait.ge [sflag:s0], $0x1200  }
0x49: {  	[sflag:s0] =	ssyncset.done $0x0  }
0x4a: {  	s10 =	rddreg [dreg:$0x6];
	[sflag:s0] =	ssyncadd.s32 $0xFFFFEE00  }
0x4b: {  	[hbm4b:s10+s2] =	stream.linear.scatter [tilespmem:s1], [sflag:$0x8], $0x3200, $0x38;
	[tilespmem:$0x12C00] =	vst v63  }
0x4c: {  	_ =	swait.ge [sflag:s28], $0x3200  }
0x4d: {  	[sflag:s28] =	ssyncset.done $0x0  }
0x4e: {  	s8 =	simm.s32 $0x3E8;
	[sflag:s28] =	ssyncadd.s32 $0xFFFFCE00  }
0x4f: {  	[tilespmem:s21], [sflag:$0x2] =	stream.indirect.gather [hbm4b:s3+s16], $0x40, s8, s16, $0xb8;
	[tilespmem:$0x12C00] =	vst v63  }
0x50: {  	s9 =	simm.s32 $0x468  }
0x51: {  	[tilespmem:s23], [sflag:$0x2] =	stream.indirect.gather [hbm4b:s3+s18], $0x40, s9, s18, $0xb8;
	[tilespmem:$0x12C00] =	vst v63  }
0x52: {  	_ =	swait.ge [sflag:s24], $0x2000  }
0x53: {  	[sflag:s24] =	ssyncset.done $0x0  }
0x54: {  	[sflag:s24] =	ssyncadd.s32 $0xFFFFE000  }
0x55: {  	_ =	swait.ge [sflag:s24], $0x1200  }
0x56: {  	[sflag:s24] =	ssyncset.done $0x0  }
0x57: {  	[sflag:s24] =	ssyncadd.s32 $0xFFFFEE00  }
0x58: {  	[hbm4b:s14+s2] =	stream.linear.scatter [tilespmem:s17], [sflag:$0x5], $0x3200, $0x38;
	[tilespmem:$0x12C00] =	vst v63  }
0x59: {  	_ =	swait.ge [sflag:s31], $0x3200  }
0x5a: {  	[sflag:s31] =	ssyncset.done $0x0  }
0x5b: {  	s10 =	simm.s32 $0x4B0;
	[sflag:s31] =	ssyncadd.s32 $0xFFFFCE00  }
0x5c: {  	[tilespmem:s26], [sflag:$0x3] =	stream.indirect.gather [hbm4b:s3+s16], $0x40, s10, s16, $0xb8;
	[tilespmem:$0x12C00] =	vst v63  }
0x5d: {  	s8 =	simm.s32 $0x530  }
0x5e: {  	[tilespmem:s29], [sflag:$0x3] =	stream.indirect.gather [hbm4b:s3+s18], $0x40, s8, s18, $0xb8;
	[tilespmem:$0x12C00] =	vst v63  }
0x5f: {  	_ =	swait.ge [sflag:s30], $0x2000  }
0x60: {  	[sflag:s30] =	ssyncset.done $0x0  }
0x61: {  	[sflag:s30] =	ssyncadd.s32 $0xFFFFE000  }
0x62: {  	_ =	swait.ge [sflag:s30], $0x1200  }
0x63: {  	[sflag:s30] =	ssyncset.done $0x0  }
0x64: {  	s9 =	sadd.s32 $0x640, s14;
	[sflag:s30] =	ssyncadd.s32 $0xFFFFEE00  }
0x65: {  	[hbm4b:s9+s2] =	stream.linear.scatter [tilespmem:s21], [sflag:$0x6], $0x3200, $0x38;
	[tilespmem:$0x12C00] =	vst v63  }
0x66: {  	_ =	swait.ge [sflag:s5], $0x3200  }
0x67: {  	[sflag:s5] =	ssyncset.done $0x0  }
0x68: {  	s10 =	simm.s32 $0x578;
	[sflag:s5] =	ssyncadd.s32 $0xFFFFCE00  }
0x69: {  	[tilespmem:s1], [sflag:$0x4] =	stream.indirect.gather [hbm4b:s3+s16], $0x40, s10, s16, $0xb8;
	[tilespmem:$0x12C00] =	vst v63  }
0x6a: {  	s8 =	simm.s32 $0x5F8  }
0x6b: {  	[tilespmem:s20], [sflag:$0x4] =	stream.indirect.gather [hbm4b:s3+s18], $0x40, s8, s18, $0xb8;
	[tilespmem:$0x12C00] =	vst v63  }
0x6c: {  	_ =	swait.ge [sflag:s22], $0x2000  }
0x6d: {  	[sflag:s22] =	ssyncset.done $0x0  }
0x6e: {  	[sflag:s22] =	ssyncadd.s32 $0xFFFFE000  }
0x6f: {  	_ =	swait.ge [sflag:s22], $0x1200  }
0x70: {  	[sflag:s22] =	ssyncset.done $0x0  }
0x71: {  	s9 =	sadd.s32 $0xC80, s14;
	[sflag:s22] =	ssyncadd.s32 $0xFFFFEE00  }
0x72: {  	[hbm4b:s9+s2] =	stream.linear.scatter [tilespmem:s26], [sflag:$0x7], $0x3200, $0x38;
	[tilespmem:$0x12C00] =	vst v63  }
0x73: {  	_ =	swait.ge [sflag:s25], $0x3200  }
0x74: {  	[sflag:s25] =	ssyncset.done $0x0  }
0x75: {  	s10 =	simm.s32 $0x640;
	[sflag:s25] =	ssyncadd.s32 $0xFFFFCE00  }
0x76: {  	[tilespmem:s17], [sflag:$0x1] =	stream.indirect.gather [hbm4b:s3+s16], $0x40, s10, s16, $0xb8;
	[tilespmem:$0x12C00] =	vst v63  }
0x77: {  	s8 =	simm.s32 $0x6C0  }
0x78: {  	[tilespmem:s19], [sflag:$0x1] =	stream.indirect.gather [hbm4b:s3+s18], $0x40, s8, s18, $0xb8;
	[tilespmem:$0x12C00] =	vst v63  }
0x79: {  	_ =	swait.ge [sflag:s0], $0x2000  }
0x7a: {  	[sflag:s0] =	ssyncset.done $0x0  }
0x7b: {  	[sflag:s0] =	ssyncadd.s32 $0xFFFFE000  }
0x7c: {  	_ =	swait.ge [sflag:s0], $0x1200  }
0x7d: {  	[sflag:s0] =	ssyncset.done $0x0  }
0x7e: {  	s9 =	sadd.s32 $0x12C0, s14;
	[sflag:s0] =	ssyncadd.s32 $0xFFFFEE00  }
0x7f: {  	[hbm4b:s9+s2] =	stream.linear.scatter [tilespmem:s1], [sflag:$0x8], $0x3200, $0x38;
	[tilespmem:$0x12C00] =	vst v63  }
0x80: {  	_ =	swait.ge [sflag:s28], $0x3200  }
0x81: {  	s7 =	simm.s32 $0xC80;
	s10 =	simm.s32 $0x708;
	[sflag:s28] =	ssyncset.done $0x0  }
0x82: {  	s8 =	sadd.s32 $0x1900, s14;
	s9 =	simm.s32 $0x788;
	[sflag:s28] =	ssyncadd.s32 $0xFFFFCE00  }
0x83: {  	[tilespmem:s21], [sflag:$0x2] =	stream.indirect.gather [hbm4b:s3+s16], $0x40, s10, s16, $0xb8;
	[tilespmem:$0x12C00] =	vst v63  }
.LBB2_2:
0x84: {  	[tilespmem:s23], [sflag:$0x2] =	stream.indirect.gather [hbm4b:s3+s18], $0x40, s9, s18, $0xb8;
	[tilespmem:$0x12C00] =	vst v63  }
0x85: {  	s9 =	smov.u32 s7  }
0x86: {  	p0 =	sne.s32 s7, $0x16A80;
	s7 =	sadd.s32 $0xC80, s7;
	_ =	swait.ge [sflag:s24], $0x2000  }
0x87: {  	[sflag:s24] =	ssyncset.done $0x0  }
0x88: {  	[sflag:s24] =	ssyncadd.s32 $0xFFFFE000  }
0x89: {  	_ =	swait.ge [sflag:s24], $0x1200  }
0x8a: {  	[sflag:s24] =	ssyncset.done $0x0  }
0x8b: {  	[sflag:s24] =	ssyncadd.s32 $0xFFFFEE00  }
0x8c: {  	[hbm4b:s8+s2] =	stream.linear.scatter [tilespmem:s17], [sflag:$0x5], $0x3200, $0x38;
	[tilespmem:$0x12C00] =	vst v63  }
0x8d: {  	_ =	swait.ge [sflag:s31], $0x3200  }
0x8e: {  	s9 =	sshra.s32 s9, $0x2;
	[sflag:s31] =	ssyncset.done $0x0  }
0x8f: {  	s10 =	sadd.s32 $0x4B0, s9;
	[sflag:s31] =	ssyncadd.s32 $0xFFFFCE00  }
0x90: {  	[tilespmem:s26], [sflag:$0x3] =	stream.indirect.gather [hbm4b:s3+s16], $0x40, s10, s16, $0xb8;
	[tilespmem:$0x12C00] =	vst v63  }
0x91: {  	s10 =	sadd.s32 $0x530, s9  }
0x92: {  	[tilespmem:s29], [sflag:$0x3] =	stream.indirect.gather [hbm4b:s3+s18], $0x40, s10, s18, $0xb8;
	[tilespmem:$0x12C00] =	vst v63  }
0x93: {  	_ =	swait.ge [sflag:s30], $0x2000  }
0x94: {  	[sflag:s30] =	ssyncset.done $0x0  }
0x95: {  	[sflag:s30] =	ssyncadd.s32 $0xFFFFE000  }
0x96: {  	_ =	swait.ge [sflag:s30], $0x1200  }
0x97: {  	[sflag:s30] =	ssyncset.done $0x0  }
0x98: {  	s10 =	sadd.s32 $0x640, s8;
	[sflag:s30] =	ssyncadd.s32 $0xFFFFEE00  }
0x99: {  	[hbm4b:s10+s2] =	stream.linear.scatter [tilespmem:s21], [sflag:$0x6], $0x3200, $0x38;
	[tilespmem:$0x12C00] =	vst v63  }
0x9a: {  	_ =	swait.ge [sflag:s5], $0x3200  }
0x9b: {  	[sflag:s5] =	ssyncset.done $0x0  }
0x9c: {  	s10 =	sadd.s32 $0x578, s9;
	[sflag:s5] =	ssyncadd.s32 $0xFFFFCE00  }
0x9d: {  	[tilespmem:s1], [sflag:$0x4] =	stream.indirect.gather [hbm4b:s3+s16], $0x40, s10, s16, $0xb8;
	[tilespmem:$0x12C00] =	vst v63  }
0x9e: {  	s10 =	sadd.s32 $0x5F8, s9  }
0x9f: {  	[tilespmem:s20], [sflag:$0x4] =	stream.indirect.gather [hbm4b:s3+s18], $0x40, s10, s18, $0xb8;
	[tilespmem:$0x12C00] =	vst v63  }
0xa0: {  	_ =	swait.ge [sflag:s22], $0x2000  }
0xa1: {  	[sflag:s22] =	ssyncset.done $0x0  }
0xa2: {  	[sflag:s22] =	ssyncadd.s32 $0xFFFFE000  }
0xa3: {  	_ =	swait.ge [sflag:s22], $0x1200  }
0xa4: {  	[sflag:s22] =	ssyncset.done $0x0  }
0xa5: {  	s10 =	sadd.s32 $0xC80, s8;
	[sflag:s22] =	ssyncadd.s32 $0xFFFFEE00  }
0xa6: {  	[hbm4b:s10+s2] =	stream.linear.scatter [tilespmem:s26], [sflag:$0x7], $0x3200, $0x38;
	[tilespmem:$0x12C00] =	vst v63  }
0xa7: {  	_ =	swait.ge [sflag:s25], $0x3200  }
0xa8: {  	[sflag:s25] =	ssyncset.done $0x0  }
0xa9: {  	s10 =	sadd.s32 $0x640, s9;
	[sflag:s25] =	ssyncadd.s32 $0xFFFFCE00  }
0xaa: {  	[tilespmem:s17], [sflag:$0x1] =	stream.indirect.gather [hbm4b:s3+s16], $0x40, s10, s16, $0xb8;
	[tilespmem:$0x12C00] =	vst v63  }
0xab: {  	s10 =	sadd.s32 $0x6C0, s9  }
0xac: {  	[tilespmem:s19], [sflag:$0x1] =	stream.indirect.gather [hbm4b:s3+s18], $0x40, s10, s18, $0xb8;
	[tilespmem:$0x12C00] =	vst v63  }
0xad: {  	_ =	swait.ge [sflag:s0], $0x2000  }
0xae: {  	[sflag:s0] =	ssyncset.done $0x0  }
0xaf: {  	[sflag:s0] =	ssyncadd.s32 $0xFFFFE000  }
0xb0: {  	_ =	swait.ge [sflag:s0], $0x1200  }
0xb1: {  	[sflag:s0] =	ssyncset.done $0x0  }
0xb2: {  	s10 =	sadd.s32 $0x12C0, s8;
	[sflag:s0] =	ssyncadd.s32 $0xFFFFEE00  }
0xb3: {  	[hbm4b:s10+s2] =	stream.linear.scatter [tilespmem:s1], [sflag:$0x8], $0x3200, $0x38;
	[tilespmem:$0x12C00] =	vst v63  }
.Ltmp0:
0xb4: {  	_ =	swait.ge [sflag:s28], $0x3200;
	(pc) =	sbr.rel @p0 .LBB2_2-.Ltmp0, $4  }
0xb5: {  	[sflag:s28] =	ssyncset.done $0x0  }
0xb6: {  	s10 =	sadd.s32 $0x708, s9;
	[sflag:s28] =	ssyncadd.s32 $0xFFFFCE00  }
0xb7: {  	[tilespmem:s21], [sflag:$0x2] =	stream.indirect.gather [hbm4b:s3+s16], $0x40, s10, s16, $0xb8;
	[tilespmem:$0x12C00] =	vst v63  }
0xb8: {  	s8 =	sadd.s32 $0x1900, s8;
	s9 =	sadd.s32 $0x788, s9  }
0xb9: {  	[tilespmem:s23], [sflag:$0x2] =	stream.indirect.gather [hbm4b:s3+s18], $0x40, s9, s18, $0xb8;
	[tilespmem:$0x12C00] =	vst v63  }
0xba: {  	_ =	swait.ge [sflag:s24], $0x2000  }
0xbb: {  	[sflag:s24] =	ssyncset.done $0x0  }
0xbc: {  	[sflag:s24] =	ssyncadd.s32 $0xFFFFE000  }
0xbd: {  	_ =	swait.ge [sflag:s24], $0x1200  }
0xbe: {  	[sflag:s24] =	ssyncset.done $0x0  }
0xbf: {  	s7 =	rddreg [dreg:$0x7];
	[sflag:s24] =	ssyncadd.s32 $0xFFFFEE00  }
0xc0: {  	[hbm4b:s7+s2] =	stream.linear.scatter [tilespmem:s17], [sflag:$0x5], $0x3200, $0x38;
	[tilespmem:$0x12C00] =	vst v63  }
0xc1: {  	_ =	swait.ge [sflag:s31], $0x3200  }
0xc2: {  	[sflag:s31] =	ssyncset.done $0x0  }
0xc3: {  	s9 =	simm.s32 $0x6270;
	[sflag:s31] =	ssyncadd.s32 $0xFFFFCE00  }
0xc4: {  	[tilespmem:s26], [sflag:$0x3] =	stream.indirect.gather [hbm4b:s3+s16], $0x40, s9, s16, $0xb8;
	[tilespmem:$0x12C00] =	vst v63  }
0xc5: {  	s10 =	simm.s32 $0x62F0  }
0xc6: {  	[tilespmem:s29], [sflag:$0x3] =	stream.indirect.gather [hbm4b:s3+s18], $0x40, s10, s18, $0xb8;
	[tilespmem:$0x12C00] =	vst v63  }
0xc7: {  	_ =	swait.ge [sflag:s30], $0x2000  }
0xc8: {  	[sflag:s30] =	ssyncset.done $0x0  }
0xc9: {  	[sflag:s30] =	ssyncadd.s32 $0xFFFFE000  }
0xca: {  	_ =	swait.ge [sflag:s30], $0x1200  }
0xcb: {  	[sflag:s30] =	ssyncset.done $0x0  }
0xcc: {  	s8 =	rddreg [dreg:$0x8];
	[sflag:s30] =	ssyncadd.s32 $0xFFFFEE00  }
0xcd: {  	[hbm4b:s8+s2] =	stream.linear.scatter [tilespmem:s21], [sflag:$0x6], $0x3200, $0x38;
	[tilespmem:$0x12C00] =	vst v63  }
0xce: {  	_ =	swait.ge [sflag:s5], $0x3200  }
0xcf: {  	[sflag:s5] =	ssyncset.done $0x0  }
0xd0: {  	s9 =	simm.s32 $0x6338;
	[sflag:s5] =	ssyncadd.s32 $0xFFFFCE00  }
0xd1: {  	[tilespmem:s1], [sflag:$0x4] =	stream.indirect.gather [hbm4b:s3+s16], $0x40, s9, s16, $0xb8;
	[tilespmem:$0x12C00] =	vst v63  }
0xd2: {  	s10 =	simm.s32 $0x63B8  }
0xd3: {  	[tilespmem:s20], [sflag:$0x4] =	stream.indirect.gather [hbm4b:s3+s18], $0x40, s10, s18, $0xb8;
	[tilespmem:$0x12C00] =	vst v63  }
0xd4: {  	_ =	swait.ge [sflag:s22], $0x2000  }
0xd5: {  	[sflag:s22] =	ssyncset.done $0x0  }
0xd6: {  	[sflag:s22] =	ssyncadd.s32 $0xFFFFE000  }
0xd7: {  	_ =	swait.ge [sflag:s22], $0x1200  }
0xd8: {  	[sflag:s22] =	ssyncset.done $0x0  }
0xd9: {  	[sflag:s22] =	ssyncadd.s32 $0xFFFFEE00  }
0xda: {  	[hbm4b:s11+s2] =	stream.linear.scatter [tilespmem:s26], [sflag:$0x7], $0x3200, $0x38;
	[tilespmem:$0x12C00] =	vst v63  }
0xdb: {  	_ =	swait.ge [sflag:s25], $0x3200  }
0xdc: {  	[sflag:s25] =	ssyncset.done $0x0  }
0xdd: {  	[sflag:s25] =	ssyncadd.s32 $0xFFFFCE00  }
0xde: {  	_ =	swait.ge [sflag:s0], $0x2000  }
0xdf: {  	[sflag:s0] =	ssyncset.done $0x0  }
0xe0: {  	[sflag:s0] =	ssyncadd.s32 $0xFFFFE000  }
0xe1: {  	_ =	swait.ge [sflag:s0], $0x1200  }
0xe2: {  	[sflag:s0] =	ssyncset.done $0x0  }
0xe3: {  	[sflag:s0] =	ssyncadd.s32 $0xFFFFEE00  }
0xe4: {  	[hbm4b:s12+s2] =	stream.linear.scatter [tilespmem:s1], [sflag:$0x8], $0x3200, $0x38;
	[tilespmem:$0x12C00] =	vst v63  }
0xe5: {  	_ =	swait.ge [sflag:s28], $0x3200  }
0xe6: {  	[sflag:s28] =	ssyncset.done $0x0  }
0xe7: {  	s6 =	sadd.s32 $0x1, s6;
	[sflag:s28] =	ssyncadd.s32 $0xFFFFCE00  }
0xe8: {  	p0 =	sne.s32 s6, s13;
	_ =	swait.ge [sflag:s31], $0x3200  }
.Ltmp1:
0xe9: {  	[sflag:s31] =	ssyncset.done $0x0;
	(pc) =	sbr.rel @p0 .LBB2_1-.Ltmp1, $4  }
0xea: {  	[sflag:s31] =	ssyncadd.s32 $0xFFFFCE00  }
0xeb: {  	_ =	swait.ge [sflag:s5], $0x3200  }
0xec: {  	[sflag:s5] =	ssyncset.done $0x0  }
0xed: {  	[sflag:s5] =	ssyncadd.s32 $0xFFFFCE00  }
0xee: {  	_ =	sfence.sel $0x180000  }
0xef: {  	[bflag:$0x0] =	sbarrier.arrive $0xFFFF  }
0xf0: {  	_ =	strace $0x90000047  }
0xf1: {  	s0 =	stileid.u32;
	[bflag:$0x2] =	sbarrier.arrive $0xFFFF  }
0xf2: {  	p0 =	sne.s32 s0, $0x0;
	s0 =	rddreg [dreg:$0x2]  }
0xf3: {  	s0 =	sadd.s32 @!p0 $0x100000, s0  }
0xf4: {  	[sflag:s0] =	ssyncadd.tile.s32 @!p0 $0x1;
	_ =	shalt  }
.Lfunc_end2:
_tile_overlayer_lowered:
.L_overlay_start_2:
0xf5: {  	(tag) =	ssettag $0x2  }
0xf6: {  	s0 =	rddreg [dreg:$0x0];
	s2 =	stileid.u32  }
0xf7: {  	s1 =	rddreg [dreg:$0x1];
	p0 =	sne.s32 s2, $0x0  }
0xf8: {  	s3 =	rddreg [dreg:$0x2];
	[bflag:$0x3] =	sbarrier.arrive $0xFFFF;
	s2 =	simm.s32 @!p0 $0x1C09  }
0xf9: {  	[timem:s3], [sflag:s2] =	dma.local @!p0 [hbm:s0], s1  }
0xfa: {  	s0 =	simm.s32 @!p0 $0x9  }
0xfb: {  	_ =	swait.ge @!p0 [sflag:s0], s1  }
0xfc: {  	s1 =	ssub.s32 @!p0 $0x0, s1;
	[sflag:s0] =	ssyncset.done @!p0 $0x0  }
0xfd: {  	[sflag:s0] =	ssyncadd.s32 @!p0 s1  }
0xfe: {  	[bflag:$0x3] =	sbarrier.arrive $0xFFFF  }
0xff: {  	_ =	shalt  }

// kernel: sparse-core-data-format-call.cloned.1.call-start
scs
called_computation_lowered:
.L_overlay_start_0:
0x0: {  	s2 =	sld [smem:$0x3FD9]  }
0x1: {  	s3 =	sld [smem:$0x3FFE];
	_ =	sdelay $0x1  }
0x2: {  	s1 =	srdreg.scid  }
0x3: {  	s0 =	sand.u32 $0x1, s1  }
0x4: {  	s18 =	sshll.u32 s0, $0xA;
	s2 =	sadd.s32 s3, s2  }
0x5: {  	s2 =	sadd.s32 s2, s18  }
0x6: {  	[smem:$0x3FC6] =	sst s2  }
0x7: {  	_ = 	snop  }
0x8: {  	s2 =	sld [smem:$0x3FD0];
	(tm) =	ssettm $0x1  }
0x9: {  	s19 =	sld [smem:$0x3FFB];
	_ =	sdelay $0x3  }
0xa: {  	_ =	strace s19  }
0xb: {  	s3 =	sld [smem:$0x3FFC];
	_ =	sdelay $0x3  }
0xc: {  	_ =	strace s3  }
0xd: {  	s3 =	sld [smem:$0x3FFD];
	_ =	sdelay $0x3  }
0xe: {  	_ =	strace s3  }
0xf: {  	_ =	strace $0x8FFFFFFF  }
0x10: {  	s20 =	sld [smem:$0x3FDB];
	_ =	sdelay $0x1  }
0x11: {  	s4 =	simm.s32 $_scs_section_size  }
0x12: {  	s5 =	simm.s32 $_size__tile_overlayer_lowered;
	s6 =	simm.s32 $_tile_overlayer_lowered  }
0x13: {  	s23 =	simm.s32 $0x1BFF;
	s22 =	sshll.u32 s6, $0x1;
	s3 =	sadd.s32 s4, s20  }
0x14: {  	s7 =	simm.s32 $0x0;
	s21 =	sshll.u32 s5, $0x1;
	s5 =	sadd.s32 s22, s3  }
0x15: {  	[timem:s7], [sflag:s23] =	dma.local [hbm:s5], s21  }
0x16: {  	_ =	swait.ge [sflag:s23], s21  }
0x17: {  	s4 =	ssub.s32 $0x0, s21;
	[sflag:s23] =	ssyncset.done $0x0  }
0x18: {  	[sflag:s23] =	ssyncadd.s32 s4;
	_ =	sdelay $0x1  }
0x19: {  	s24 =	simm.s32 $0x1B8B  }
0x1a: {  	_ =	swait.ge [sflag:s24], $0x1  }
0x1b: {  	[sflag:s24] =	ssyncset.done $0x0  }
0x1c: {  	s26 =	simm.s32 $0x1B8E;
	s25 =	sld [smem:$0x3FFE];
	[sflag:s24] =	ssyncadd.s32 $0xFFFFFFFF  }
0x1d: {  	s27 =	simm.s32 $execute0_lowered;
	[smem:$0x3FD2] =	sst s26  }
0x1e: {  	s5 =	sshll.u32 s27, $0x1;
	_ =	strace $0x80000049;
	[dreg:$0x1] =	wrdreg $0xFFFFFFFF  }
0x1f: {  	s28 =	simm.s32 $_size_execute0_lowered;
	s3 =	sadd.s32 s3, s5;
	[dreg:$0x0] =	wrdreg $0x0  }
0x20: {  	s5 =	sshll.u32 s28, $0x1;
	[dreg:$0x2] =	wrdreg s3  }
0x21: {  	[dreg:$0x3] =	wrdreg s5  }
0x22: {  	[dreg:$0x4] =	wrdreg $0xC0  }
0x23: {  	_ =	task [dreg:s7], $0x5FFFF  }
0x24: {  	[dreg:$0x1] =	wrdreg $0xFFFFFFFF  }
0x25: {  	[dreg:$0x0] =	wrdreg $0x60  }
0x26: {  	[dreg:$0x2] =	wrdreg s25  }
0x27: {  	[dreg:$0x3] =	wrdreg s2  }
0x28: {  	[dreg:$0x4] =	wrdreg $0x9  }
0x29: {  	_ =	task.clear_ibuf [dreg:s7], $0x5FFFF;
	_ =	strace $0x90000049  }
0x2a: {  	s29 =	simm.s32 $0x9;
	_ =	strace $0x8000004B  }
0x2b: {  	_ =	swait.ge [sflag:s29], $0x1  }
0x2c: {  	[sflag:s29] =	ssyncadd.s32 $0xFFFFFFFF  }
0x2d: {  	_ =	strace $0x9000004B  }
0x2e: {  	_ =	sfence  }
0x2f: {  	s30 =	sld [smem:$0x0];
	_ =	sdelay $0x2  }
0x30: {  	s31 =	sshll.u32 s1, $0xD;
	s1 =	sshrl.u32 s1, $0x2  }
0x31: {  	s3 =	sand.u32 $0x4000, s31;
	s1 =	sadd.s32 s1, s30  }
0x32: {  	s0 =	sor.u32 s3, s0;
	s1 =	sshll.u32 s1, $0x11  }
0x33: {  	s0 =	sor.u32 s1, s0  }
0x34: {  	s0 =	sadd.s32 $0x8F2B, s0  }
0x35: {  	[sflag:s0] =	ssyncadd.remote.s32 $0x1  }
0x36: {  	_ =	sfence.sel $0xFFFF  }
0x37: {  	[dreg:$0x0] =	wrdreg $0xFFFFFFFF;
	(pc) =	sbr.abs _section_cstart, $3  }
0x38: {  	[dreg:$0x1] =	wrdreg $0xFFFFFFFF  }
0x39: {  	_ =	task.clear_ibuf [dreg:s7], $0x2FFFF;
	_ =	strace $0x9FFFFFFF  }
0x3a: {  	(tm) =	ssettm $0x7FFFFFFF  }
0x3b: {  	_ =	shalt  }
tec
execute0_lowered:
.L_overlay_start_1:
0x0: {  	(tag) =	ssettag $0x1  }
0x1: {  	s0 =	srdreg.scid  }
0x2: {  	s1 =	sshll.u32 s0, $0x4  }
0x3: {  	s0 =	stileid.u32;
	s1 =	sand.u32 $0x10, s1  }
0x4: {  	s1 =	sor.u32 s0, s1  }
0x5: {  	s6 =	rddreg [dreg:$0x0];
	s4 =	simm.s32 $0x1;
	s2 =	sshll.u32 s1, $0x7  }
0x6: {  	s7 =	simm.s32 $0x2;
	s12 =	simm.s32 $0x0;
	s1 =	ssub.s32 $0x1000, s2  }
0x7: {  	s8 =	simm.s32 $0x8000;
	s13 =	simm.s32 $0x0;
	s3 =	sand.u32 $0xF80, s1  }
0x8: {  	s9 =	simm.s32 $0x0;
	s5 =	sshrl.u32 s1, $0xC;
	p0 =	sne.s32 s3, $0x0  }
.Ltmp0:
0x9: {  	s1 =	rddreg [dreg:$0x2];
	s4 =	simm.s32 @!p0 $0x0;
	(pc) =	sbr.rel .LBB1_1-.Ltmp0, $4  }
0xa: {  	s11 =	simm.s32 $0x0;
	s3 =	rddreg [dreg:$0x1];
	s5 =	sadd.s32 s4, s5  }
0xb: {  	_ =	strace $0x8000004A;
	s4 =	simm.s32 $0x1;
	s5 =	smul.u32 $0xC8, s5  }
0xc: {  	s6 =	sadd.s32 $0xA00, s6;
	s10 =	smov.u32 s2;
	[sflag:s4] =	ssyncpa.u1 $0x0  }
0xd: {  	p0 =	por $0x0, $0x0;
	[sflag:s7] =	ssyncpa.u1 $0x0;
	s7 =	sor.u32 $0x1, s5  }
.LBB1_4:
0xe: {  	s16 =	sshll.u32 s13, $0x3;
	s17 =	sand.u32 $0x78, s13  }
0xf: {  	s30 =	sand.u32 $0x7E00, s13;
	s12 =	sshll.u32 s12, $0xF;
	s16 =	sand.u32 $0xC00, s16  }
0x10: {  	[tilespmem:s15+$0x810 ss:$0x81] =	vst.msk $0xffff, v2;
	s31 =	sand.u32 $0x7, s13;
	s16 =	sor.u32 s17, s16;
	s17 =	sadd.s32 s3, s30  }
0x11: {  	[tilespmem:s15+$0x1020 ss:$0x81] =	vst.msk $0xffff, v0;
	s13 =	sshll.u32 s31, $0x12;
	s12 =	sadd.s32 s12, s17;
	s16 =	sshrl.u32 s16, $0x3  }
0x12: {  	[tilespmem:s15+$0x0 ss:$0x81] =	vst.msk $0xffff, v1;
	s13 =	sor.u32 $0x400, s13;
	s12 =	sadd.s32 s16, s12  }
0x13: {  	[hbm4b:s12+s13] =	stream.strided.scatter [tilespmem:s14], [sflag:$0x2], $0x2000, s8, s13, $0x20;
	[tilespmem:$0x8080] =	vst v63  }
.LBB1_5:
0x14: {  	s14 =	sadd.s32 $0x1, s9  }
0x15: {  	s12 =	sadd.s32 $0x1000, s10;
	s16 =	smov.u32 s10;
	p2 =	sgt.s32 s14, $0xC7  }
0x16: {  	s16 =	smov.u32 @p2 s12  }
0x17: {  	s14 =	simm.s32 @p2 $0x0;
	p2 =	sgt.s32 s16, $0xFFF  }
0x18: {  	s16 =	smov.u32 @p2 s2;
	p2 =	sne.s32 s11, s7  }
.Ltmp1:
0x19: {  	p1 =	slt.u32 s11, $0x2;
	(pc) =	sbr.rel @!p2 .LBB1_6-.Ltmp1, $4  }
0x1a: {  	s15 =	simm.s32 @!p1 $0x2  }
0x1b: {  	s13 =	smov.u32 s10;
	p0 =	por !p0, !p0;
	_ =	swait.ge @!p1 [sflag:s15], $0x2000  }
0x1c: {  	s12 =	smov.u32 s9;
	[sflag:s15] =	ssyncset.done @!p1 $0x0;
	s9 =	smov.u32 s14  }
0x1d: {  	s11 =	sadd.s32 $0x1, s11;
	[sflag:s15] =	ssyncadd.s32 @!p1 $0xFFFFE000;
	s10 =	smov.u32 s16  }
.LBB1_1:
0x1e: {  	p1 =	sge.u32 s11, s5  }
0x1f: {  	s14 =	sand.u32 @!p1 $0x1FFFFFF, s9  }
0x20: {  	s15 =	smulhi.u32 @!p1 $0x147AE15, s14;
	_ =	sdelay $0x1  }
0x21: {  	s15 =	smul.u32 @!p1 $0xC8, s15  }
0x22: {  	s16 =	sxor.u32 @!p1 $0xFFFFFFFF, s11;
	s17 =	smul.u32 @!p1 $0xC80, s10  }
0x23: {  	s31 =	sadd.s32 $0xFFFFFFFF, s11;
	s16 =	sshll.u32 @!p1 s16, $0xD;
	s14 =	ssub.s32 @!p1 s14, s15  }
0x24: {  	s15 =	sand.u32 @!p1 $0x2000, s16;
	s16 =	sadd.s32 @!p1 s6, s17;
	s14 =	sshll.u32 @!p1 s14, $0x4  }
0x25: {  	s17 =	simm.s32 @!p1 $0x6400;
	s14 =	sadd.s32 @!p1 s14, s16;
	s16 =	simm.s32 @!p1 $0x40  }
0x26: {  	[tilespmem:s15], [sflag:$0x1] =	stream.strided.gather @!p1 [hbm4b:s14+s16], $0x2000, s17, s16, $0x38;
	[tilespmem:$0x8080] =	vst v63  }
0x27: {  	p1 =	sge.u32 s31, s5  }
.Ltmp2:
0x28: {  	_ = 	snop;
	(pc) =	sbr.rel @p1 .LBB1_5-.Ltmp2, $1  }
0x29: {  	_ =	sdelay $0x3  }
0x2a: {  	s14 =	simm.s32 $0x1  }
0x2b: {  	_ =	swait.ge [sflag:s4], $0x2000;
	s14 =	simm.s32 @!p0 $0x0  }
0x2c: {  	[sflag:s4] =	ssyncset.done $0x0;
	s15 =	sshll.u32 s14, $0xD  }
0x2d: {  	[sflag:s4] =	ssyncadd.s32 $0xFFFFE000;
	s18 =	sor.u32 $0x20, s15  }
0x2e: {  	s14 =	smul.u32 $0x8100, s14;
	v3 =	vld [tilespmem:s18+$0x10]  }
0x2f: {  	s30 =	sand.u32 $0x1, s11;
	v2 =	vld [tilespmem:s18+$0xFFFFFFF0]  }
0x30: {  	s15 =	smul.u32 $0x8100, s30;
	s14 =	sshrl.u32 s14, $0x2;
	v0 =	vld [tilespmem:s18+$0x0]  }
0x31: {  	v1 =	vld [tilespmem:s18+$0xFFFFFFE0];
	s16 =	sor.u32 $0x4000, s14  }
0x32: {  	s31 =	sshrl.u32 s15, $0x2;
	s15 =	sadd.s32 $0x0, s16  }
0x33: {  	s17 =	simm.s32 $0x4;
	s18 =	sadd.s32 $0x40, s18;
	s14 =	sor.u32 $0x4000, s31;
	[tilespmem:s15+$0x1830 ss:$0x81] =	vst.msk $0xffff, v3  }
.LBB1_3:
0x34: {  	v3 =	vld [tilespmem:s18+$0x10];
	p1 =	sne.s32 s17, $0x1FC;
	[tilespmem:s15+$0x810 ss:$0x81] =	vst.msk $0xffff, v2;
	s19 =	smov.u32 s17;
	s17 =	sadd.s32 $0x4, s17  }
.Ltmp3:
0x35: {  	v2 =	vld [tilespmem:s18+$0xFFFFFFF0];
	[tilespmem:s15+$0x1020 ss:$0x81] =	vst.msk $0xffff, v0;
	(pc) =	sbr.rel @p1 .LBB1_3-.Ltmp3, $4  }
0x36: {  	v0 =	vld [tilespmem:s18+$0x0];
	[tilespmem:s15+$0x0 ss:$0x81] =	vst.msk $0xffff, v1  }
0x37: {  	s15 =	sshra.s32 s19, $0x2;
	v1 =	vld [tilespmem:s18+$0xFFFFFFE0]  }
0x38: {  	s15 =	sadd.s32 s15, s16  }
0x39: {  	s18 =	sadd.s32 $0x40, s18;
	[tilespmem:s15+$0x1830 ss:$0x81] =	vst.msk $0xffff, v3  }
.Ltmp4:
0x3a: {  	_ = 	snop;
	(pc) =	sbr.rel .LBB1_4-.Ltmp4, $1  }
0x3b: {  	_ =	sdelay $0x3  }
.LBB1_6:
0x3c: {  	_ =	sfence.sel $0x180000  }
0x3d: {  	s2 =	simm.s32 $0x1;
	[bflag:$0x0] =	sbarrier.arrive $0xFFFF  }
0x3e: {  	s31 =	simm.s32 $0x2;
	[sflag:s2] =	ssyncpa.u1 $0x1  }
0x3f: {  	[sflag:s31] =	ssyncpa.u1 $0x1  }
0x40: {  	p0 =	sne.s32 s0, $0x0;
	_ =	strace $0x9000004A  }
0x41: {  	s0 =	sadd.s32 @!p0 $0x100000, s1;
	[bflag:$0x2] =	sbarrier.arrive $0xFFFF  }
0x42: {  	[sflag:s0] =	ssyncadd.tile.s32 @!p0 $0x1;
	_ =	shalt  }
.Lfunc_end1:
_tile_overlayer_lowered:
.L_overlay_start_2:
0x43: {  	(tag) =	ssettag $0x2  }
0x44: {  	s0 =	rddreg [dreg:$0x0];
	s2 =	stileid.u32  }
0x45: {  	s1 =	rddreg [dreg:$0x1];
	p0 =	sne.s32 s2, $0x0  }
0x46: {  	s3 =	rddreg [dreg:$0x2];
	[bflag:$0x3] =	sbarrier.arrive $0xFFFF;
	s2 =	simm.s32 @!p0 $0x1C01  }
0x47: {  	[timem:s3], [sflag:s2] =	dma.local @!p0 [hbm:s0], s1  }
0x48: {  	s0 =	simm.s32 @!p0 $0x1  }
0x49: {  	_ =	swait.ge @!p0 [sflag:s0], s1  }
0x4a: {  	s1 =	ssub.s32 @!p0 $0x0, s1;
	[sflag:s0] =	ssyncset.done @!p0 $0x0  }
0x4b: {  	[sflag:s0] =	ssyncadd.s32 @!p0 s1  }
0x4c: {  	[bflag:$0x3] =	sbarrier.arrive $0xFFFF  }
0x4d: {  	_ =	shalt  }

</sc_bundles>
